<compile_context>
chip_gen: v7x
topology: tpu7x:2x2x1
jax: 0.10.2.dev20260603
libtpu: 0.0.44.dev20260713+nightly
codegen_flags: <defaults>
</compile_context>

<pallas_src>
import functools

import jax
import jax.numpy as jnp
from jax import lax
from jax.experimental import pallas as pl
from jax.experimental.pallas import tpu as pltpu
from jax.experimental.pallas import tpu_sc as plsc

DIM = 256
NUM_CODES = 8192
M_BLK = 1024
N_ROWS = 9216
N_BLOCKS = N_ROWS // M_BLK

_SC_INFO = plsc.get_sparse_core_info()
NC, NS = _SC_INFO.num_cores, _SC_INFO.num_subcores
NW = NC * NS
ROWS_PER_W = N_ROWS // NW
CHUNK = 96
NCHUNK = ROWS_PER_W // CHUNK
IDX_COLS = 96
IDX_ROWS_PER_W = ROWS_PER_W // IDX_COLS


_CHUNKS = ((0, 2736), (2736, 5472), (5472, 8192))


def _rtne_bf16(v):
    i = lax.bitcast_convert_type(v, jnp.uint32)
    r = (i + jnp.uint32(0x7FFF) + ((i >> jnp.uint32(16)) & jnp.uint32(1))) \
        & jnp.uint32(0xFFFF0000)
    return lax.bitcast_convert_type(r, jnp.float32)


def _argmin_body(x_ref, cb_ref, a2_ref, b2_ref, ids_ref):
    x = x_ref[...]
    cb = cb_ref[...]
    s = lax.dot_general(cb, x, (((1,), (1,)), ((), ())),
                        preferred_element_type=jnp.float32)
    d2 = a2_ref[...] - 2.0 * s + b2_ref[...]
    acc = None
    idx = None
    for lo, hi in _CHUNKS:
        blk = d2[lo:hi, :]
        m2 = jnp.min(blk, axis=0, keepdims=True)
        v = jnp.sqrt(jnp.maximum(m2, 0.0))
        ti = lax.bitcast_convert_type(v * v, jnp.int32)
        bound = jnp.full_like(v, -jnp.inf)
        for k in range(-3, 4):
            cand = lax.bitcast_convert_type(ti + jnp.int32(k), jnp.float32)
            ok = jnp.sqrt(jnp.maximum(cand, 0.0)) == v
            bound = jnp.where(ok, jnp.maximum(bound, cand), bound)
        rows = lax.broadcasted_iota(jnp.int32, blk.shape, 0) + jnp.int32(lo)
        i = jnp.min(jnp.where(blk <= bound, rows, jnp.int32(NUM_CODES)),
                    axis=0, keepdims=True)
        if acc is None:
            acc, idx = _rtne_bf16(v), i
        else:
            lt = v < acc
            idx = jnp.where(lt, i, idx)
            acc = jnp.where(lt, _rtne_bf16(v), acc)
    ids_ref[...] = idx.reshape(1, 1, M_BLK)


def _snap_ids(flat, codebook):
    a2 = jnp.sum(flat * flat, axis=1, keepdims=True).reshape(1, N_ROWS)
    b2 = jnp.sum(codebook * codebook, axis=1)[None, :].reshape(NUM_CODES, 1)
    ids3 = pl.pallas_call(
        _argmin_body,
        grid=(N_BLOCKS,),
        in_specs=[
            pl.BlockSpec((M_BLK, DIM), lambda m: (m, 0)),
            pl.BlockSpec((NUM_CODES, DIM), lambda m: (0, 0)),
            pl.BlockSpec((1, M_BLK), lambda m: (0, m)),
            pl.BlockSpec((NUM_CODES, 1), lambda m: (0, 0)),
        ],
        out_specs=pl.BlockSpec((1, 1, M_BLK), lambda m: (m, 0, 0)),
        out_shape=jax.ShapeDtypeStruct((N_BLOCKS, 1, M_BLK), jnp.int32),
    )(flat, codebook, a2, b2)
    return ids3.reshape(N_ROWS)


def _gather_rows(codebook, ids):
    mesh = plsc.VectorSubcoreMesh(core_axis_name="c", subcore_axis_name="s")
    idx3d = ids.reshape(NW, IDX_ROWS_PER_W, IDX_COLS)

    @functools.partial(
        pl.kernel,
        mesh=mesh,
        out_type=jax.ShapeDtypeStruct((N_ROWS, DIM), jnp.float32),
        scratch_types=[
            pltpu.VMEM((IDX_ROWS_PER_W, IDX_COLS), jnp.int32),
            pltpu.VMEM((ROWS_PER_W, DIM), jnp.float32),
            pltpu.SemaphoreType.DMA,
        ],
    )
    def gather(table_hbm, idx_hbm, out_hbm, idx_v, rows_v, sem):
        wid = lax.axis_index("s") * NC + lax.axis_index("c")
        pltpu.sync_copy(idx_hbm.at[wid], idx_v)
        copies = []
        for j in range(NCHUNK):
            copies.append(
                pltpu.async_copy(
                    table_hbm.at[idx_v.at[j]],
                    rows_v.at[pl.ds(j * CHUNK, CHUNK)],
                    sem,
                )
            )
        for c in copies:
            c.wait()
        pltpu.sync_copy(rows_v, out_hbm.at[pl.ds(wid * ROWS_PER_W, ROWS_PER_W)])

    return gather(codebook, idx3d)


def kernel(x, codebook):
    flat = x.reshape(-1, DIM)
    ids = _snap_ids(flat, codebook)
    out = _gather_rows(codebook, ids)
    return out.reshape(x.shape)

# --- scband reference (transcript-rebuilt; emitter-appended) ---
"""Pipeline reference for scband-codebook-model-13005160973065 (READ-ONLY COPY).

The authoritative reference and input builder live on the scoring server;
editing this copy changes nothing except your own understanding.
"""

import jax, jax.numpy as jnp
import numpy as np

DIM = 256
NUM_CODES = 8192
B = 16
C = 576  # 384/16 * 384/16 patches


def setup_inputs(seed: int = 0) -> dict:
    key = jax.random.key(seed)
    k1, k2 = jax.random.split(key)
    x = jax.random.normal(k1, (B, C, DIM), dtype=jnp.float32)
    # learned parameter: nn.Embedding(num_codes, dim).weight
    codebook = jax.random.normal(k2, (NUM_CODES, DIM), dtype=jnp.float32)
    return {"x": x, "codebook": codebook}


def reference(x, codebook):
    # CodebookLayer.forward with EuclideanSnapFunction (hard snap):
    #   logits = torch.cdist(inputs, codebook, p=2)
    #   codebook_ids = logits.argmin(-1)
    #   outputs = F.embedding(codebook_ids, codebook)
    assert x.ndim == 3
    flat = x.reshape(-1, x.shape[-1])
    # euclidean cdist: sqrt(|a|^2 - 2 a.b + |b|^2)
    d2 = (
        jnp.sum(flat * flat, axis=1, keepdims=True)
        - 2.0 * flat @ codebook.T
        + jnp.sum(codebook * codebook, axis=1)[None, :]
    )
    dists = jnp.sqrt(jnp.maximum(d2, 0.0))
    codebook_ids = jnp.argmin(dists, axis=-1)
    out = jnp.take(codebook, codebook_ids, axis=0)
    return out.reshape(x.shape)

if __name__ == "__main__":
    import jax
    _d = setup_inputs()
    print(jax.jit(kernel)(*tuple(_d.values())))

</pallas_src>

<mosaic_0001>
#map = affine_map<(d0, d1) -> (0, 0)>
#map1 = affine_map<(d0, d1) -> (0, 0, 0)>
module attributes {stable_mosaic.version = 14 : i64} {
  func.func @gather(%arg0: i32, %arg1: i32, %arg2: memref<8192x256xf32, #tpu.memory_space<hbm>>, %arg3: memref<32x3x96xi32, #tpu.memory_space<hbm>>, %arg4: memref<9216x256xf32, #tpu.memory_space<hbm>>, %arg5: memref<3x96xi32, #tpu.memory_space<vmem>>, %arg6: memref<288x256xf32, #tpu.memory_space<vmem>>, %arg7: memref<!tpu.dma_semaphore, #tpu.memory_space<semaphore_mem>>) attributes {dimension_semantics = [#tpu.dimension_semantics<core_parallel>, #tpu.dimension_semantics<subcore_parallel>], iteration_bounds = array<i64: 2, 16>, scalar_prefetch = 0 : i64, scratch_operands = 3 : i64, tpu.core_type = #tpu.core_type<sc_vector_subcore>, window_params = [{transform_indices = #map}, {transform_indices = #map1}, {transform_indices = #map}]} {
    %mul3A = arith.constant 2 : i32
    %mul3A_0 = arith.muli %arg1, %mul3A : i32
    %add3A = arith.addi %mul3A_0, %arg0 : i32
    "tpu.region"() ({
      %run_scoped3A = tpu.sem_alloc : memref<!tpu.dma_semaphore, #tpu.memory_space<semaphore_mem>>
      %dma_start3A_61 = arith.constant 0 : i32
      %dma_start3A_62 = arith.constant 0 : i32
      %dma_start3A_63 = tpu.memref_slice %arg3[%add3A, %dma_start3A_61, %dma_start3A_62] : memref<32x3x96xi32, #tpu.memory_space<hbm>> -> memref<1x3x96xi32, #tpu.memory_space<hbm>>
      %dma_start3A_64 = tpu.memref_squeeze %dma_start3A_63 : memref<1x3x96xi32, #tpu.memory_space<hbm>> -> memref<3x96xi32, #tpu.memory_space<hbm>>
      %dma_start3A_65 = arith.constant 0 : i32
      %dma_start3A_66 = arith.constant 0 : i32
      %dma_start3A_67 = tpu.memref_slice %arg3[%add3A, %dma_start3A_65, %dma_start3A_66] : memref<32x3x96xi32, #tpu.memory_space<hbm>> -> memref<1x3x96xi32, #tpu.memory_space<hbm>>
      %dma_start3A_68 = tpu.memref_squeeze %dma_start3A_67 : memref<1x3x96xi32, #tpu.memory_space<hbm>> -> memref<3x96xi32, #tpu.memory_space<hbm>>
      tpu.enqueue_dma source(%dma_start3A_68 : memref<3x96xi32, #tpu.memory_space<hbm>>) target(%arg5 : memref<3x96xi32, #tpu.memory_space<vmem>>) target_semaphore(%run_scoped3A : memref<!tpu.dma_semaphore, #tpu.memory_space<semaphore_mem>>)
      %dma_wait3A_69 = arith.constant 0 : i32
      %dma_wait3A_70 = arith.constant 0 : i32
      %dma_wait3A_71 = tpu.memref_slice %arg3[%add3A, %dma_wait3A_69, %dma_wait3A_70] : memref<32x3x96xi32, #tpu.memory_space<hbm>> -> memref<1x3x96xi32, #tpu.memory_space<hbm>>
      %dma_wait3A_72 = tpu.memref_squeeze %dma_wait3A_71 : memref<1x3x96xi32, #tpu.memory_space<hbm>> -> memref<3x96xi32, #tpu.memory_space<hbm>>
      %dma_wait3A_73 = arith.constant 0 : i32
      %dma_wait3A_74 = arith.constant 0 : i32
      %dma_wait3A_75 = tpu.memref_slice %arg3[%add3A, %dma_wait3A_73, %dma_wait3A_74] : memref<32x3x96xi32, #tpu.memory_space<hbm>> -> memref<1x3x96xi32, #tpu.memory_space<hbm>>
      %dma_wait3A_76 = tpu.memref_squeeze %dma_wait3A_75 : memref<1x3x96xi32, #tpu.memory_space<hbm>> -> memref<3x96xi32, #tpu.memory_space<hbm>>
      tpu.wait_dma2 semaphore(%run_scoped3A : memref<!tpu.dma_semaphore, #tpu.memory_space<semaphore_mem>>) src(%dma_wait3A_76 : memref<3x96xi32, #tpu.memory_space<hbm>>) dst(%arg5 : memref<3x96xi32, #tpu.memory_space<vmem>>)
      tpu.yield
    }) : () -> ()
    %dma_start3A = arith.constant 0 : i32
    %dma_start3A_1 = arith.constant 0 : i32
    %dma_start3A_2 = arith.constant 0 : i32
    %dma_start3A_3 = tpu.memref_slice %arg6[%dma_start3A_1, %dma_start3A_2] : memref<288x256xf32, #tpu.memory_space<vmem>> -> memref<96x256xf32, #tpu.memory_space<vmem>>
    %dma_start3A_4 = arith.constant 0 : i32
    %dma_start3A_5 = tpu.memref_slice %arg5[%dma_start3A, %dma_start3A_4] : memref<3x96xi32, #tpu.memory_space<vmem>> -> memref<1x96xi32, #tpu.memory_space<vmem>>
    %dma_start3A_6 = tpu.memref_squeeze %dma_start3A_5 : memref<1x96xi32, #tpu.memory_space<vmem>> -> memref<96xi32, #tpu.memory_space<vmem>>
    %dma_start3A_7 = arith.constant 0 : i32
    %dma_start3A_8 = arith.constant 0 : i32
    %dma_start3A_9 = tpu.memref_slice %arg2[%dma_start3A_7, %dma_start3A_8] : memref<8192x256xf32, #tpu.memory_space<hbm>> -> memref<8192x256xf32, #tpu.memory_space<hbm>>
    tpu.enqueue_indirect_dma source(%dma_start3A_9 : memref<8192x256xf32, #tpu.memory_space<hbm>>) target(%dma_start3A_3 : memref<96x256xf32, #tpu.memory_space<vmem>>) offsets(%dma_start3A_6 : memref<96xi32, #tpu.memory_space<vmem>>) semaphore(%arg7 : memref<!tpu.dma_semaphore, #tpu.memory_space<semaphore_mem>>)
    %dma_start3A_10 = arith.constant 1 : i32
    %dma_start3A_11 = arith.constant 96 : i32
    %dma_start3A_12 = arith.constant 0 : i32
    %dma_start3A_13 = tpu.memref_slice %arg6[%dma_start3A_11, %dma_start3A_12] : memref<288x256xf32, #tpu.memory_space<vmem>> -> memref<96x256xf32, #tpu.memory_space<vmem>>
    %dma_start3A_14 = arith.constant 0 : i32
    %dma_start3A_15 = tpu.memref_slice %arg5[%dma_start3A_10, %dma_start3A_14] : memref<3x96xi32, #tpu.memory_space<vmem>> -> memref<1x96xi32, #tpu.memory_space<vmem>>
    %dma_start3A_16 = tpu.memref_squeeze %dma_start3A_15 : memref<1x96xi32, #tpu.memory_space<vmem>> -> memref<96xi32, #tpu.memory_space<vmem>>
    %dma_start3A_17 = arith.constant 0 : i32
    %dma_start3A_18 = arith.constant 0 : i32
    %dma_start3A_19 = tpu.memref_slice %arg2[%dma_start3A_17, %dma_start3A_18] : memref<8192x256xf32, #tpu.memory_space<hbm>> -> memref<8192x256xf32, #tpu.memory_space<hbm>>
    tpu.enqueue_indirect_dma source(%dma_start3A_19 : memref<8192x256xf32, #tpu.memory_space<hbm>>) target(%dma_start3A_13 : memref<96x256xf32, #tpu.memory_space<vmem>>) offsets(%dma_start3A_16 : memref<96xi32, #tpu.memory_space<vmem>>) semaphore(%arg7 : memref<!tpu.dma_semaphore, #tpu.memory_space<semaphore_mem>>)
    %dma_start3A_20 = arith.constant 2 : i32
    %dma_start3A_21 = arith.constant 192 : i32
    %dma_start3A_22 = arith.constant 0 : i32
    %dma_start3A_23 = tpu.memref_slice %arg6[%dma_start3A_21, %dma_start3A_22] : memref<288x256xf32, #tpu.memory_space<vmem>> -> memref<96x256xf32, #tpu.memory_space<vmem>>
    %dma_start3A_24 = arith.constant 0 : i32
    %dma_start3A_25 = tpu.memref_slice %arg5[%dma_start3A_20, %dma_start3A_24] : memref<3x96xi32, #tpu.memory_space<vmem>> -> memref<1x96xi32, #tpu.memory_space<vmem>>
    %dma_start3A_26 = tpu.memref_squeeze %dma_start3A_25 : memref<1x96xi32, #tpu.memory_space<vmem>> -> memref<96xi32, #tpu.memory_space<vmem>>
    %dma_start3A_27 = arith.constant 0 : i32
    %dma_start3A_28 = arith.constant 0 : i32
    %dma_start3A_29 = tpu.memref_slice %arg2[%dma_start3A_27, %dma_start3A_28] : memref<8192x256xf32, #tpu.memory_space<hbm>> -> memref<8192x256xf32, #tpu.memory_space<hbm>>
    tpu.enqueue_indirect_dma source(%dma_start3A_29 : memref<8192x256xf32, #tpu.memory_space<hbm>>) target(%dma_start3A_23 : memref<96x256xf32, #tpu.memory_space<vmem>>) offsets(%dma_start3A_26 : memref<96xi32, #tpu.memory_space<vmem>>) semaphore(%arg7 : memref<!tpu.dma_semaphore, #tpu.memory_space<semaphore_mem>>)
    %dma_wait3A = arith.constant 0 : i32
    %dma_wait3A_30 = arith.constant 0 : i32
    %dma_wait3A_31 = arith.constant 0 : i32
    %dma_wait3A_32 = tpu.memref_slice %arg6[%dma_wait3A_30, %dma_wait3A_31] : memref<288x256xf32, #tpu.memory_space<vmem>> -> memref<96x256xf32, #tpu.memory_space<vmem>>
    %dma_wait3A_33 = arith.constant 0 : i32
    %dma_wait3A_34 = tpu.memref_slice %arg5[%dma_wait3A, %dma_wait3A_33] : memref<3x96xi32, #tpu.memory_space<vmem>> -> memref<1x96xi32, #tpu.memory_space<vmem>>
    %dma_wait3A_35 = tpu.memref_squeeze %dma_wait3A_34 : memref<1x96xi32, #tpu.memory_space<vmem>> -> memref<96xi32, #tpu.memory_space<vmem>>
    %dma_wait3A_36 = arith.constant 0 : i32
    %dma_wait3A_37 = arith.constant 0 : i32
    %dma_wait3A_38 = tpu.memref_slice %arg2[%dma_wait3A_36, %dma_wait3A_37] : memref<8192x256xf32, #tpu.memory_space<hbm>> -> memref<8192x256xf32, #tpu.memory_space<hbm>>
    tpu.wait_indirect_dma semaphore(%arg7 : memref<!tpu.dma_semaphore, #tpu.memory_space<semaphore_mem>>) src(%dma_wait3A_38 : memref<8192x256xf32, #tpu.memory_space<hbm>>) dst(%dma_wait3A_32 : memref<96x256xf32, #tpu.memory_space<vmem>>)
    %dma_wait3A_39 = arith.constant 1 : i32
    %dma_wait3A_40 = arith.constant 96 : i32
    %dma_wait3A_41 = arith.constant 0 : i32
    %dma_wait3A_42 = tpu.memref_slice %arg6[%dma_wait3A_40, %dma_wait3A_41] : memref<288x256xf32, #tpu.memory_space<vmem>> -> memref<96x256xf32, #tpu.memory_space<vmem>>
    %dma_wait3A_43 = arith.constant 0 : i32
    %dma_wait3A_44 = tpu.memref_slice %arg5[%dma_wait3A_39, %dma_wait3A_43] : memref<3x96xi32, #tpu.memory_space<vmem>> -> memref<1x96xi32, #tpu.memory_space<vmem>>
    %dma_wait3A_45 = tpu.memref_squeeze %dma_wait3A_44 : memref<1x96xi32, #tpu.memory_space<vmem>> -> memref<96xi32, #tpu.memory_space<vmem>>
    %dma_wait3A_46 = arith.constant 0 : i32
    %dma_wait3A_47 = arith.constant 0 : i32
    %dma_wait3A_48 = tpu.memref_slice %arg2[%dma_wait3A_46, %dma_wait3A_47] : memref<8192x256xf32, #tpu.memory_space<hbm>> -> memref<8192x256xf32, #tpu.memory_space<hbm>>
    tpu.wait_indirect_dma semaphore(%arg7 : memref<!tpu.dma_semaphore, #tpu.memory_space<semaphore_mem>>) src(%dma_wait3A_48 : memref<8192x256xf32, #tpu.memory_space<hbm>>) dst(%dma_wait3A_42 : memref<96x256xf32, #tpu.memory_space<vmem>>)
    %dma_wait3A_49 = arith.constant 2 : i32
    %dma_wait3A_50 = arith.constant 192 : i32
    %dma_wait3A_51 = arith.constant 0 : i32
    %dma_wait3A_52 = tpu.memref_slice %arg6[%dma_wait3A_50, %dma_wait3A_51] : memref<288x256xf32, #tpu.memory_space<vmem>> -> memref<96x256xf32, #tpu.memory_space<vmem>>
    %dma_wait3A_53 = arith.constant 0 : i32
    %dma_wait3A_54 = tpu.memref_slice %arg5[%dma_wait3A_49, %dma_wait3A_53] : memref<3x96xi32, #tpu.memory_space<vmem>> -> memref<1x96xi32, #tpu.memory_space<vmem>>
    %dma_wait3A_55 = tpu.memref_squeeze %dma_wait3A_54 : memref<1x96xi32, #tpu.memory_space<vmem>> -> memref<96xi32, #tpu.memory_space<vmem>>
    %dma_wait3A_56 = arith.constant 0 : i32
    %dma_wait3A_57 = arith.constant 0 : i32
    %dma_wait3A_58 = tpu.memref_slice %arg2[%dma_wait3A_56, %dma_wait3A_57] : memref<8192x256xf32, #tpu.memory_space<hbm>> -> memref<8192x256xf32, #tpu.memory_space<hbm>>
    tpu.wait_indirect_dma semaphore(%arg7 : memref<!tpu.dma_semaphore, #tpu.memory_space<semaphore_mem>>) src(%dma_wait3A_58 : memref<8192x256xf32, #tpu.memory_space<hbm>>) dst(%dma_wait3A_52 : memref<96x256xf32, #tpu.memory_space<vmem>>)
    %mul3A_59 = arith.constant 288 : i32
    %mul3A_60 = arith.muli %add3A, %mul3A_59 : i32
    "tpu.region"() ({
      %run_scoped3A = tpu.sem_alloc : memref<!tpu.dma_semaphore, #tpu.memory_space<semaphore_mem>>
      %dma_start3A_61 = arith.constant 0 : i32
      %dma_start3A_62 = tpu.memref_slice %arg4[%mul3A_60, %dma_start3A_61] : memref<9216x256xf32, #tpu.memory_space<hbm>> -> memref<288x256xf32, #tpu.memory_space<hbm>>
      %dma_start3A_63 = arith.constant 0 : i32
      %dma_start3A_64 = tpu.memref_slice %arg4[%mul3A_60, %dma_start3A_63] : memref<9216x256xf32, #tpu.memory_space<hbm>> -> memref<288x256xf32, #tpu.memory_space<hbm>>
      tpu.enqueue_dma source(%arg6 : memref<288x256xf32, #tpu.memory_space<vmem>>) target(%dma_start3A_64 : memref<288x256xf32, #tpu.memory_space<hbm>>) target_semaphore(%run_scoped3A : memref<!tpu.dma_semaphore, #tpu.memory_space<semaphore_mem>>)
      %dma_wait3A_65 = arith.constant 0 : i32
      %dma_wait3A_66 = tpu.memref_slice %arg4[%mul3A_60, %dma_wait3A_65] : memref<9216x256xf32, #tpu.memory_space<hbm>> -> memref<288x256xf32, #tpu.memory_space<hbm>>
      %dma_wait3A_67 = arith.constant 0 : i32
      %dma_wait3A_68 = tpu.memref_slice %arg4[%mul3A_60, %dma_wait3A_67] : memref<9216x256xf32, #tpu.memory_space<hbm>> -> memref<288x256xf32, #tpu.memory_space<hbm>>
      tpu.wait_dma2 semaphore(%run_scoped3A : memref<!tpu.dma_semaphore, #tpu.memory_space<semaphore_mem>>) src(%arg6 : memref<288x256xf32, #tpu.memory_space<vmem>>) dst(%dma_wait3A_68 : memref<288x256xf32, #tpu.memory_space<hbm>>)
      tpu.yield
    }) : () -> ()
    return
  }
}

module attributes {stable_mosaic.version = 14 : i64} {
  func.func @_argmin_body(%arg0: i32, %arg1: memref<1024x256xf32, #tpu.memory_space<vmem>>, %arg2: memref<8192x256xf32, #tpu.memory_space<vmem>>, %arg3: memref<1x1024xf32, #tpu.memory_space<vmem>>, %arg4: memref<8192x1xf32, #tpu.memory_space<vmem>>, %arg5: memref<1x1x1024xi32, #tpu.memory_space<vmem>>) attributes {dimension_semantics = [#tpu.dimension_semantics<arbitrary>], iteration_bounds = array<i64: 9>, scalar_prefetch = 0 : i64, scratch_operands = 0 : i64, tpu.core_type = #tpu.core_type<tc>, window_params = [{transform_indices = @transform_0, window_bounds = array<i64: 1024, 256>}, {pipeline_mode = #tpu.pipeline_mode<synchronous>, transform_indices = @transform_1, window_bounds = array<i64: 8192, 256>}, {transform_indices = @transform_2, window_bounds = array<i64: 1, 1024>}, {pipeline_mode = #tpu.pipeline_mode<synchronous>, transform_indices = @transform_3, window_bounds = array<i64: 8192, 1>}, {transform_indices = @transform_4, window_bounds = array<i64: 1, 1, 1024>}]} {
    %get3A = arith.constant 0 : index
    %get3A_0 = arith.constant 0 : index
    %get3A_1 = vector.load %arg1[%get3A, %get3A_0] : memref<1024x256xf32, #tpu.memory_space<vmem>>, vector<1024x256xf32>
    %get3A_2 = arith.constant 0 : index
    %get3A_3 = arith.constant 0 : index
    %get3A_4 = vector.load %arg2[%get3A_2, %get3A_3] : memref<8192x256xf32, #tpu.memory_space<vmem>>, vector<8192x256xf32>
    %dot_general3A = arith.constant dense<0.000000e+00> : vector<8192x1024xf32>
    %dot_general3A_5 = tpu.matmul %get3A_4, %get3A_1, %dot_general3A {dimension_numbers = #tpu.dot_dimension_numbers<[1], [1], [0], [0], [0, 0, 1, 0], [], []>, transpose_lhs_hint = false} : vector<8192x256xf32>, vector<1024x256xf32>, vector<8192x1024xf32> -> vector<8192x1024xf32>
    %get3A_6 = arith.constant 0 : index
    %get3A_7 = arith.constant 0 : index
    %get3A_8 = vector.load %arg3[%get3A_6, %get3A_7] : memref<1x1024xf32, #tpu.memory_space<vmem>>, vector<1x1024xf32>
    %mul3A = arith.constant 2.000000e+00 : f32
    %mul3A_9 = vector.broadcast %mul3A : f32 to vector<8192x1024xf32>
    %mul3A_10 = arith.mulf %mul3A_9, %dot_general3A_5 : vector<8192x1024xf32>
    %sub3A = vector.broadcast %get3A_8 : vector<1x1024xf32> to vector<8192x1024xf32>
    %sub3A_11 = arith.subf %sub3A, %mul3A_10 : vector<8192x1024xf32>
    %get3A_12 = arith.constant 0 : index
    %get3A_13 = arith.constant 0 : index
    %get3A_14 = vector.load %arg4[%get3A_12, %get3A_13] : memref<8192x1xf32, #tpu.memory_space<vmem>>, vector<8192x1xf32>
    %add3A = vector.broadcast %get3A_14 : vector<8192x1xf32> to vector<8192x1024xf32>
    %add3A_15 = arith.addf %sub3A_11, %add3A : vector<8192x1024xf32>
    %slice3A = vector.extract_strided_slice %add3A_15 {offsets = [0, 0], sizes = [2736, 1024], strides = [1, 1]} : vector<8192x1024xf32> to vector<2736x1024xf32>
    %reduce_min3A = arith.constant dense<0x7F800000> : vector<1024xf32>
    %reduce_min3A_16 = vector.multi_reduction <minimumf>, %slice3A, %reduce_min3A [0] : vector<2736x1024xf32> to vector<1024xf32>
    %broadcast_in_dim3A = vector.shape_cast %reduce_min3A_16 : vector<1024xf32> to vector<1x1024xf32>
    %max3A = arith.constant 0.000000e+00 : f32
    %max3A_17 = vector.broadcast %max3A : f32 to vector<1x1024xf32>
    %max3A_18 = arith.maximumf %broadcast_in_dim3A, %max3A_17 : vector<1x1024xf32>
    %sqrt3A = math.sqrt %max3A_18 : vector<1x1024xf32>
    %mul3A_19 = arith.mulf %sqrt3A, %sqrt3A : vector<1x1024xf32>
    %bitcast_convert_type3A = tpu.bitcast %mul3A_19 : vector<1x1024xf32> -> vector<1x1024xi32>
    %broadcast_in_dim3A_20 = arith.constant 0xFF800000 : f32
    %broadcast_in_dim3A_21 = vector.broadcast %broadcast_in_dim3A_20 : f32 to vector<1x1024xf32>
    %add3A_22 = arith.constant -3 : i32
    %add3A_23 = vector.broadcast %add3A_22 : i32 to vector<1x1024xi32>
    %add3A_24 = arith.addi %bitcast_convert_type3A, %add3A_23 : vector<1x1024xi32>
    %bitcast_convert_type3A_25 = tpu.bitcast %add3A_24 : vector<1x1024xi32> -> vector<1x1024xf32>
    %max3A_26 = arith.constant 0.000000e+00 : f32
    %max3A_27 = vector.broadcast %max3A_26 : f32 to vector<1x1024xf32>
    %max3A_28 = arith.maximumf %bitcast_convert_type3A_25, %max3A_27 : vector<1x1024xf32>
    %sqrt3A_29 = math.sqrt %max3A_28 : vector<1x1024xf32>
    %eq3A = arith.cmpf oeq, %sqrt3A_29, %sqrt3A : vector<1x1024xf32>
    %max3A_30 = arith.maximumf %broadcast_in_dim3A_21, %bitcast_convert_type3A_25 : vector<1x1024xf32>
    %select_n3A = arith.select %eq3A, %max3A_30, %broadcast_in_dim3A_21 : vector<1x1024xi1>, vector<1x1024xf32>
    %add3A_31 = arith.constant -2 : i32
    %add3A_32 = vector.broadcast %add3A_31 : i32 to vector<1x1024xi32>
    %add3A_33 = arith.addi %bitcast_convert_type3A, %add3A_32 : vector<1x1024xi32>
    %bitcast_convert_type3A_34 = tpu.bitcast %add3A_33 : vector<1x1024xi32> -> vector<1x1024xf32>
    %max3A_35 = arith.constant 0.000000e+00 : f32
    %max3A_36 = vector.broadcast %max3A_35 : f32 to vector<1x1024xf32>
    %max3A_37 = arith.maximumf %bitcast_convert_type3A_34, %max3A_36 : vector<1x1024xf32>
    %sqrt3A_38 = math.sqrt %max3A_37 : vector<1x1024xf32>
    %eq3A_39 = arith.cmpf oeq, %sqrt3A_38, %sqrt3A : vector<1x1024xf32>
    %max3A_40 = arith.maximumf %select_n3A, %bitcast_convert_type3A_34 : vector<1x1024xf32>
    %select_n3A_41 = arith.select %eq3A_39, %max3A_40, %select_n3A : vector<1x1024xi1>, vector<1x1024xf32>
    %add3A_42 = arith.constant -1 : i32
    %add3A_43 = vector.broadcast %add3A_42 : i32 to vector<1x1024xi32>
    %add3A_44 = arith.addi %bitcast_convert_type3A, %add3A_43 : vector<1x1024xi32>
    %bitcast_convert_type3A_45 = tpu.bitcast %add3A_44 : vector<1x1024xi32> -> vector<1x1024xf32>
    %max3A_46 = arith.constant 0.000000e+00 : f32
    %max3A_47 = vector.broadcast %max3A_46 : f32 to vector<1x1024xf32>
    %max3A_48 = arith.maximumf %bitcast_convert_type3A_45, %max3A_47 : vector<1x1024xf32>
    %sqrt3A_49 = math.sqrt %max3A_48 : vector<1x1024xf32>
    %eq3A_50 = arith.cmpf oeq, %sqrt3A_49, %sqrt3A : vector<1x1024xf32>
    %max3A_51 = arith.maximumf %select_n3A_41, %bitcast_convert_type3A_45 : vector<1x1024xf32>
    %select_n3A_52 = arith.select %eq3A_50, %max3A_51, %select_n3A_41 : vector<1x1024xi1>, vector<1x1024xf32>
    %add3A_53 = arith.constant 0 : i32
    %add3A_54 = vector.broadcast %add3A_53 : i32 to vector<1x1024xi32>
    %add3A_55 = arith.addi %bitcast_convert_type3A, %add3A_54 : vector<1x1024xi32>
    %bitcast_convert_type3A_56 = tpu.bitcast %add3A_55 : vector<1x1024xi32> -> vector<1x1024xf32>
    %max3A_57 = arith.constant 0.000000e+00 : f32
    %max3A_58 = vector.broadcast %max3A_57 : f32 to vector<1x1024xf32>
    %max3A_59 = arith.maximumf %bitcast_convert_type3A_56, %max3A_58 : vector<1x1024xf32>
    %sqrt3A_60 = math.sqrt %max3A_59 : vector<1x1024xf32>
    %eq3A_61 = arith.cmpf oeq, %sqrt3A_60, %sqrt3A : vector<1x1024xf32>
    %max3A_62 = arith.maximumf %select_n3A_52, %bitcast_convert_type3A_56 : vector<1x1024xf32>
    %select_n3A_63 = arith.select %eq3A_61, %max3A_62, %select_n3A_52 : vector<1x1024xi1>, vector<1x1024xf32>
    %add3A_64 = arith.constant 1 : i32
    %add3A_65 = vector.broadcast %add3A_64 : i32 to vector<1x1024xi32>
    %add3A_66 = arith.addi %bitcast_convert_type3A, %add3A_65 : vector<1x1024xi32>
    %bitcast_convert_type3A_67 = tpu.bitcast %add3A_66 : vector<1x1024xi32> -> vector<1x1024xf32>
    %max3A_68 = arith.constant 0.000000e+00 : f32
    %max3A_69 = vector.broadcast %max3A_68 : f32 to vector<1x1024xf32>
    %max3A_70 = arith.maximumf %bitcast_convert_type3A_67, %max3A_69 : vector<1x1024xf32>
    %sqrt3A_71 = math.sqrt %max3A_70 : vector<1x1024xf32>
    %eq3A_72 = arith.cmpf oeq, %sqrt3A_71, %sqrt3A : vector<1x1024xf32>
    %max3A_73 = arith.maximumf %select_n3A_63, %bitcast_convert_type3A_67 : vector<1x1024xf32>
    %select_n3A_74 = arith.select %eq3A_72, %max3A_73, %select_n3A_63 : vector<1x1024xi1>, vector<1x1024xf32>
    %add3A_75 = arith.constant 2 : i32
    %add3A_76 = vector.broadcast %add3A_75 : i32 to vector<1x1024xi32>
    %add3A_77 = arith.addi %bitcast_convert_type3A, %add3A_76 : vector<1x1024xi32>
    %bitcast_convert_type3A_78 = tpu.bitcast %add3A_77 : vector<1x1024xi32> -> vector<1x1024xf32>
    %max3A_79 = arith.constant 0.000000e+00 : f32
    %max3A_80 = vector.broadcast %max3A_79 : f32 to vector<1x1024xf32>
    %max3A_81 = arith.maximumf %bitcast_convert_type3A_78, %max3A_80 : vector<1x1024xf32>
    %sqrt3A_82 = math.sqrt %max3A_81 : vector<1x1024xf32>
    %eq3A_83 = arith.cmpf oeq, %sqrt3A_82, %sqrt3A : vector<1x1024xf32>
    %max3A_84 = arith.maximumf %select_n3A_74, %bitcast_convert_type3A_78 : vector<1x1024xf32>
    %select_n3A_85 = arith.select %eq3A_83, %max3A_84, %select_n3A_74 : vector<1x1024xi1>, vector<1x1024xf32>
    %add3A_86 = arith.constant 3 : i32
    %add3A_87 = vector.broadcast %add3A_86 : i32 to vector<1x1024xi32>
    %add3A_88 = arith.addi %bitcast_convert_type3A, %add3A_87 : vector<1x1024xi32>
    %bitcast_convert_type3A_89 = tpu.bitcast %add3A_88 : vector<1x1024xi32> -> vector<1x1024xf32>
    %max3A_90 = arith.constant 0.000000e+00 : f32
    %max3A_91 = vector.broadcast %max3A_90 : f32 to vector<1x1024xf32>
    %max3A_92 = arith.maximumf %bitcast_convert_type3A_89, %max3A_91 : vector<1x1024xf32>
    %sqrt3A_93 = math.sqrt %max3A_92 : vector<1x1024xf32>
    %eq3A_94 = arith.cmpf oeq, %sqrt3A_93, %sqrt3A : vector<1x1024xf32>
    %max3A_95 = arith.maximumf %select_n3A_85, %bitcast_convert_type3A_89 : vector<1x1024xf32>
    %select_n3A_96 = arith.select %eq3A_94, %max3A_95, %select_n3A_85 : vector<1x1024xi1>, vector<1x1024xf32>
    %iota3A = tpu.iota {dimensions = array<i32: 0>} : vector<2736x1024xi32>
    %add3A_97 = arith.constant 0 : i32
    %add3A_98 = vector.broadcast %add3A_97 : i32 to vector<2736x1024xi32>
    %add3A_99 = arith.addi %iota3A, %add3A_98 : vector<2736x1024xi32>
    %le3A = vector.broadcast %select_n3A_96 : vector<1x1024xf32> to vector<2736x1024xf32>
    %le3A_100 = arith.cmpf ole, %slice3A, %le3A : vector<2736x1024xf32>
    %jit3A = arith.constant 8192 : i32
    %broadcast_in_dim3A_101 = vector.broadcast %jit3A : i32 to vector<2736x1024xi32>
    %select_n3A_102 = arith.select %le3A_100, %add3A_99, %broadcast_in_dim3A_101 : vector<2736x1024xi1>, vector<2736x1024xi32>
    %reduce_min3A_103 = arith.constant dense<2147483647> : vector<1024xi32>
    %reduce_min3A_104 = vector.multi_reduction <minsi>, %select_n3A_102, %reduce_min3A_103 [0] : vector<2736x1024xi32> to vector<1024xi32>
    %broadcast_in_dim3A_105 = vector.shape_cast %reduce_min3A_104 : vector<1024xi32> to vector<1x1024xi32>
    %bitcast_convert_type3A_106 = tpu.bitcast %sqrt3A : vector<1x1024xf32> -> vector<1x1024xi32>
    %add3A_107 = arith.constant 32767 : i32
    %add3A_108 = vector.broadcast %add3A_107 : i32 to vector<1x1024xi32>
    %add3A_109 = arith.addi %bitcast_convert_type3A_106, %add3A_108 : vector<1x1024xi32>
    %shift_right_logical3A = arith.constant 16 : i32
    %shift_right_logical3A_110 = vector.broadcast %shift_right_logical3A : i32 to vector<1x1024xi32>
    %shift_right_logical3A_111 = arith.shrui %bitcast_convert_type3A_106, %shift_right_logical3A_110 : vector<1x1024xi32>
    %and3A = arith.constant 1 : i32
    %and3A_112 = vector.broadcast %and3A : i32 to vector<1x1024xi32>
    %and3A_113 = arith.andi %shift_right_logical3A_111, %and3A_112 : vector<1x1024xi32>
    %add3A_114 = arith.addi %add3A_109, %and3A_113 : vector<1x1024xi32>
    %and3A_115 = arith.constant -65536 : i32
    %and3A_116 = vector.broadcast %and3A_115 : i32 to vector<1x1024xi32>
    %and3A_117 = arith.andi %add3A_114, %and3A_116 : vector<1x1024xi32>
    %bitcast_convert_type3A_118 = tpu.bitcast %and3A_117 : vector<1x1024xi32> -> vector<1x1024xf32>
    %slice3A_119 = vector.extract_strided_slice %add3A_15 {offsets = [2736, 0], sizes = [2736, 1024], strides = [1, 1]} : vector<8192x1024xf32> to vector<2736x1024xf32>
    %reduce_min3A_120 = arith.constant dense<0x7F800000> : vector<1024xf32>
    %reduce_min3A_121 = vector.multi_reduction <minimumf>, %slice3A_119, %reduce_min3A_120 [0] : vector<2736x1024xf32> to vector<1024xf32>
    %broadcast_in_dim3A_122 = vector.shape_cast %reduce_min3A_121 : vector<1024xf32> to vector<1x1024xf32>
    %max3A_123 = arith.constant 0.000000e+00 : f32
    %max3A_124 = vector.broadcast %max3A_123 : f32 to vector<1x1024xf32>
    %max3A_125 = arith.maximumf %broadcast_in_dim3A_122, %max3A_124 : vector<1x1024xf32>
    %sqrt3A_126 = math.sqrt %max3A_125 : vector<1x1024xf32>
    %mul3A_127 = arith.mulf %sqrt3A_126, %sqrt3A_126 : vector<1x1024xf32>
    %bitcast_convert_type3A_128 = tpu.bitcast %mul3A_127 : vector<1x1024xf32> -> vector<1x1024xi32>
    %broadcast_in_dim3A_129 = arith.constant 0xFF800000 : f32
    %broadcast_in_dim3A_130 = vector.broadcast %broadcast_in_dim3A_129 : f32 to vector<1x1024xf32>
    %add3A_131 = arith.constant -3 : i32
    %add3A_132 = vector.broadcast %add3A_131 : i32 to vector<1x1024xi32>
    %add3A_133 = arith.addi %bitcast_convert_type3A_128, %add3A_132 : vector<1x1024xi32>
    %bitcast_convert_type3A_134 = tpu.bitcast %add3A_133 : vector<1x1024xi32> -> vector<1x1024xf32>
    %max3A_135 = arith.constant 0.000000e+00 : f32
    %max3A_136 = vector.broadcast %max3A_135 : f32 to vector<1x1024xf32>
    %max3A_137 = arith.maximumf %bitcast_convert_type3A_134, %max3A_136 : vector<1x1024xf32>
    %sqrt3A_138 = math.sqrt %max3A_137 : vector<1x1024xf32>
    %eq3A_139 = arith.cmpf oeq, %sqrt3A_138, %sqrt3A_126 : vector<1x1024xf32>
    %max3A_140 = arith.maximumf %broadcast_in_dim3A_130, %bitcast_convert_type3A_134 : vector<1x1024xf32>
    %select_n3A_141 = arith.select %eq3A_139, %max3A_140, %broadcast_in_dim3A_130 : vector<1x1024xi1>, vector<1x1024xf32>
    %add3A_142 = arith.constant -2 : i32
    %add3A_143 = vector.broadcast %add3A_142 : i32 to vector<1x1024xi32>
    %add3A_144 = arith.addi %bitcast_convert_type3A_128, %add3A_143 : vector<1x1024xi32>
    %bitcast_convert_type3A_145 = tpu.bitcast %add3A_144 : vector<1x1024xi32> -> vector<1x1024xf32>
    %max3A_146 = arith.constant 0.000000e+00 : f32
    %max3A_147 = vector.broadcast %max3A_146 : f32 to vector<1x1024xf32>
    %max3A_148 = arith.maximumf %bitcast_convert_type3A_145, %max3A_147 : vector<1x1024xf32>
    %sqrt3A_149 = math.sqrt %max3A_148 : vector<1x1024xf32>
    %eq3A_150 = arith.cmpf oeq, %sqrt3A_149, %sqrt3A_126 : vector<1x1024xf32>
    %max3A_151 = arith.maximumf %select_n3A_141, %bitcast_convert_type3A_145 : vector<1x1024xf32>
    %select_n3A_152 = arith.select %eq3A_150, %max3A_151, %select_n3A_141 : vector<1x1024xi1>, vector<1x1024xf32>
    %add3A_153 = arith.constant -1 : i32
    %add3A_154 = vector.broadcast %add3A_153 : i32 to vector<1x1024xi32>
    %add3A_155 = arith.addi %bitcast_convert_type3A_128, %add3A_154 : vector<1x1024xi32>
    %bitcast_convert_type3A_156 = tpu.bitcast %add3A_155 : vector<1x1024xi32> -> vector<1x1024xf32>
    %max3A_157 = arith.constant 0.000000e+00 : f32
    %max3A_158 = vector.broadcast %max3A_157 : f32 to vector<1x1024xf32>
    %max3A_159 = arith.maximumf %bitcast_convert_type3A_156, %max3A_158 : vector<1x1024xf32>
    %sqrt3A_160 = math.sqrt %max3A_159 : vector<1x1024xf32>
    %eq3A_161 = arith.cmpf oeq, %sqrt3A_160, %sqrt3A_126 : vector<1x1024xf32>
    %max3A_162 = arith.maximumf %select_n3A_152, %bitcast_convert_type3A_156 : vector<1x1024xf32>
    %select_n3A_163 = arith.select %eq3A_161, %max3A_162, %select_n3A_152 : vector<1x1024xi1>, vector<1x1024xf32>
    %add3A_164 = arith.constant 0 : i32
    %add3A_165 = vector.broadcast %add3A_164 : i32 to vector<1x1024xi32>
    %add3A_166 = arith.addi %bitcast_convert_type3A_128, %add3A_165 : vector<1x1024xi32>
    %bitcast_convert_type3A_167 = tpu.bitcast %add3A_166 : vector<1x1024xi32> -> vector<1x1024xf32>
    %max3A_168 = arith.constant 0.000000e+00 : f32
    %max3A_169 = vector.broadcast %max3A_168 : f32 to vector<1x1024xf32>
    %max3A_170 = arith.maximumf %bitcast_convert_type3A_167, %max3A_169 : vector<1x1024xf32>
    %sqrt3A_171 = math.sqrt %max3A_170 : vector<1x1024xf32>
    %eq3A_172 = arith.cmpf oeq, %sqrt3A_171, %sqrt3A_126 : vector<1x1024xf32>
    %max3A_173 = arith.maximumf %select_n3A_163, %bitcast_convert_type3A_167 : vector<1x1024xf32>
    %select_n3A_174 = arith.select %eq3A_172, %max3A_173, %select_n3A_163 : vector<1x1024xi1>, vector<1x1024xf32>
    %add3A_175 = arith.constant 1 : i32
    %add3A_176 = vector.broadcast %add3A_175 : i32 to vector<1x1024xi32>
    %add3A_177 = arith.addi %bitcast_convert_type3A_128, %add3A_176 : vector<1x1024xi32>
    %bitcast_convert_type3A_178 = tpu.bitcast %add3A_177 : vector<1x1024xi32> -> vector<1x1024xf32>
    %max3A_179 = arith.constant 0.000000e+00 : f32
    %max3A_180 = vector.broadcast %max3A_179 : f32 to vector<1x1024xf32>
    %max3A_181 = arith.maximumf %bitcast_convert_type3A_178, %max3A_180 : vector<1x1024xf32>
    %sqrt3A_182 = math.sqrt %max3A_181 : vector<1x1024xf32>
    %eq3A_183 = arith.cmpf oeq, %sqrt3A_182, %sqrt3A_126 : vector<1x1024xf32>
    %max3A_184 = arith.maximumf %select_n3A_174, %bitcast_convert_type3A_178 : vector<1x1024xf32>
    %select_n3A_185 = arith.select %eq3A_183, %max3A_184, %select_n3A_174 : vector<1x1024xi1>, vector<1x1024xf32>
    %add3A_186 = arith.constant 2 : i32
    %add3A_187 = vector.broadcast %add3A_186 : i32 to vector<1x1024xi32>
    %add3A_188 = arith.addi %bitcast_convert_type3A_128, %add3A_187 : vector<1x1024xi32>
    %bitcast_convert_type3A_189 = tpu.bitcast %add3A_188 : vector<1x1024xi32> -> vector<1x1024xf32>
    %max3A_190 = arith.constant 0.000000e+00 : f32
    %max3A_191 = vector.broadcast %max3A_190 : f32 to vector<1x1024xf32>
    %max3A_192 = arith.maximumf %bitcast_convert_type3A_189, %max3A_191 : vector<1x1024xf32>
    %sqrt3A_193 = math.sqrt %max3A_192 : vector<1x1024xf32>
    %eq3A_194 = arith.cmpf oeq, %sqrt3A_193, %sqrt3A_126 : vector<1x1024xf32>
    %max3A_195 = arith.maximumf %select_n3A_185, %bitcast_convert_type3A_189 : vector<1x1024xf32>
    %select_n3A_196 = arith.select %eq3A_194, %max3A_195, %select_n3A_185 : vector<1x1024xi1>, vector<1x1024xf32>
    %add3A_197 = arith.constant 3 : i32
    %add3A_198 = vector.broadcast %add3A_197 : i32 to vector<1x1024xi32>
    %add3A_199 = arith.addi %bitcast_convert_type3A_128, %add3A_198 : vector<1x1024xi32>
    %bitcast_convert_type3A_200 = tpu.bitcast %add3A_199 : vector<1x1024xi32> -> vector<1x1024xf32>
    %max3A_201 = arith.constant 0.000000e+00 : f32
    %max3A_202 = vector.broadcast %max3A_201 : f32 to vector<1x1024xf32>
    %max3A_203 = arith.maximumf %bitcast_convert_type3A_200, %max3A_202 : vector<1x1024xf32>
    %sqrt3A_204 = math.sqrt %max3A_203 : vector<1x1024xf32>
    %eq3A_205 = arith.cmpf oeq, %sqrt3A_204, %sqrt3A_126 : vector<1x1024xf32>
    %max3A_206 = arith.maximumf %select_n3A_196, %bitcast_convert_type3A_200 : vector<1x1024xf32>
    %select_n3A_207 = arith.select %eq3A_205, %max3A_206, %select_n3A_196 : vector<1x1024xi1>, vector<1x1024xf32>
    %iota3A_208 = tpu.iota {dimensions = array<i32: 0>} : vector<2736x1024xi32>
    %add3A_209 = arith.constant 2736 : i32
    %add3A_210 = vector.broadcast %add3A_209 : i32 to vector<2736x1024xi32>
    %add3A_211 = arith.addi %iota3A_208, %add3A_210 : vector<2736x1024xi32>
    %le3A_212 = vector.broadcast %select_n3A_207 : vector<1x1024xf32> to vector<2736x1024xf32>
    %le3A_213 = arith.cmpf ole, %slice3A_119, %le3A_212 : vector<2736x1024xf32>
    %jit3A_214 = arith.constant 8192 : i32
    %broadcast_in_dim3A_215 = vector.broadcast %jit3A_214 : i32 to vector<2736x1024xi32>
    %select_n3A_216 = arith.select %le3A_213, %add3A_211, %broadcast_in_dim3A_215 : vector<2736x1024xi1>, vector<2736x1024xi32>
    %reduce_min3A_217 = arith.constant dense<2147483647> : vector<1024xi32>
    %reduce_min3A_218 = vector.multi_reduction <minsi>, %select_n3A_216, %reduce_min3A_217 [0] : vector<2736x1024xi32> to vector<1024xi32>
    %broadcast_in_dim3A_219 = vector.shape_cast %reduce_min3A_218 : vector<1024xi32> to vector<1x1024xi32>
    %lt3A = arith.cmpf olt, %sqrt3A_126, %bitcast_convert_type3A_118 : vector<1x1024xf32>
    %select_n3A_220 = arith.select %lt3A, %broadcast_in_dim3A_219, %broadcast_in_dim3A_105 : vector<1x1024xi1>, vector<1x1024xi32>
    %bitcast_convert_type3A_221 = tpu.bitcast %sqrt3A_126 : vector<1x1024xf32> -> vector<1x1024xi32>
    %add3A_222 = arith.constant 32767 : i32
    %add3A_223 = vector.broadcast %add3A_222 : i32 to vector<1x1024xi32>
    %add3A_224 = arith.addi %bitcast_convert_type3A_221, %add3A_223 : vector<1x1024xi32>
    %shift_right_logical3A_225 = arith.constant 16 : i32
    %shift_right_logical3A_226 = vector.broadcast %shift_right_logical3A_225 : i32 to vector<1x1024xi32>
    %shift_right_logical3A_227 = arith.shrui %bitcast_convert_type3A_221, %shift_right_logical3A_226 : vector<1x1024xi32>
    %and3A_228 = arith.constant 1 : i32
    %and3A_229 = vector.broadcast %and3A_228 : i32 to vector<1x1024xi32>
    %and3A_230 = arith.andi %shift_right_logical3A_227, %and3A_229 : vector<1x1024xi32>
    %add3A_231 = arith.addi %add3A_224, %and3A_230 : vector<1x1024xi32>
    %and3A_232 = arith.constant -65536 : i32
    %and3A_233 = vector.broadcast %and3A_232 : i32 to vector<1x1024xi32>
    %and3A_234 = arith.andi %add3A_231, %and3A_233 : vector<1x1024xi32>
    %bitcast_convert_type3A_235 = tpu.bitcast %and3A_234 : vector<1x1024xi32> -> vector<1x1024xf32>
    %select_n3A_236 = arith.select %lt3A, %bitcast_convert_type3A_235, %bitcast_convert_type3A_118 : vector<1x1024xi1>, vector<1x1024xf32>
    %slice3A_237 = vector.extract_strided_slice %add3A_15 {offsets = [5472, 0], sizes = [2720, 1024], strides = [1, 1]} : vector<8192x1024xf32> to vector<2720x1024xf32>
    %reduce_min3A_238 = arith.constant dense<0x7F800000> : vector<1024xf32>
    %reduce_min3A_239 = vector.multi_reduction <minimumf>, %slice3A_237, %reduce_min3A_238 [0] : vector<2720x1024xf32> to vector<1024xf32>
    %broadcast_in_dim3A_240 = vector.shape_cast %reduce_min3A_239 : vector<1024xf32> to vector<1x1024xf32>
    %max3A_241 = arith.constant 0.000000e+00 : f32
    %max3A_242 = vector.broadcast %max3A_241 : f32 to vector<1x1024xf32>
    %max3A_243 = arith.maximumf %broadcast_in_dim3A_240, %max3A_242 : vector<1x1024xf32>
    %sqrt3A_244 = math.sqrt %max3A_243 : vector<1x1024xf32>
    %mul3A_245 = arith.mulf %sqrt3A_244, %sqrt3A_244 : vector<1x1024xf32>
    %bitcast_convert_type3A_246 = tpu.bitcast %mul3A_245 : vector<1x1024xf32> -> vector<1x1024xi32>
    %broadcast_in_dim3A_247 = arith.constant 0xFF800000 : f32
    %broadcast_in_dim3A_248 = vector.broadcast %broadcast_in_dim3A_247 : f32 to vector<1x1024xf32>
    %add3A_249 = arith.constant -3 : i32
    %add3A_250 = vector.broadcast %add3A_249 : i32 to vector<1x1024xi32>
    %add3A_251 = arith.addi %bitcast_convert_type3A_246, %add3A_250 : vector<1x1024xi32>
    %bitcast_convert_type3A_252 = tpu.bitcast %add3A_251 : vector<1x1024xi32> -> vector<1x1024xf32>
    %max3A_253 = arith.constant 0.000000e+00 : f32
    %max3A_254 = vector.broadcast %max3A_253 : f32 to vector<1x1024xf32>
    %max3A_255 = arith.maximumf %bitcast_convert_type3A_252, %max3A_254 : vector<1x1024xf32>
    %sqrt3A_256 = math.sqrt %max3A_255 : vector<1x1024xf32>
    %eq3A_257 = arith.cmpf oeq, %sqrt3A_256, %sqrt3A_244 : vector<1x1024xf32>
    %max3A_258 = arith.maximumf %broadcast_in_dim3A_248, %bitcast_convert_type3A_252 : vector<1x1024xf32>
    %select_n3A_259 = arith.select %eq3A_257, %max3A_258, %broadcast_in_dim3A_248 : vector<1x1024xi1>, vector<1x1024xf32>
    %add3A_260 = arith.constant -2 : i32
    %add3A_261 = vector.broadcast %add3A_260 : i32 to vector<1x1024xi32>
    %add3A_262 = arith.addi %bitcast_convert_type3A_246, %add3A_261 : vector<1x1024xi32>
    %bitcast_convert_type3A_263 = tpu.bitcast %add3A_262 : vector<1x1024xi32> -> vector<1x1024xf32>
    %max3A_264 = arith.constant 0.000000e+00 : f32
    %max3A_265 = vector.broadcast %max3A_264 : f32 to vector<1x1024xf32>
    %max3A_266 = arith.maximumf %bitcast_convert_type3A_263, %max3A_265 : vector<1x1024xf32>
    %sqrt3A_267 = math.sqrt %max3A_266 : vector<1x1024xf32>
    %eq3A_268 = arith.cmpf oeq, %sqrt3A_267, %sqrt3A_244 : vector<1x1024xf32>
    %max3A_269 = arith.maximumf %select_n3A_259, %bitcast_convert_type3A_263 : vector<1x1024xf32>
    %select_n3A_270 = arith.select %eq3A_268, %max3A_269, %select_n3A_259 : vector<1x1024xi1>, vector<1x1024xf32>
    %add3A_271 = arith.constant -1 : i32
    %add3A_272 = vector.broadcast %add3A_271 : i32 to vector<1x1024xi32>
    %add3A_273 = arith.addi %bitcast_convert_type3A_246, %add3A_272 : vector<1x1024xi32>
    %bitcast_convert_type3A_274 = tpu.bitcast %add3A_273 : vector<1x1024xi32> -> vector<1x1024xf32>
    %max3A_275 = arith.constant 0.000000e+00 : f32
    %max3A_276 = vector.broadcast %max3A_275 : f32 to vector<1x1024xf32>
    %max3A_277 = arith.maximumf %bitcast_convert_type3A_274, %max3A_276 : vector<1x1024xf32>
    %sqrt3A_278 = math.sqrt %max3A_277 : vector<1x1024xf32>
    %eq3A_279 = arith.cmpf oeq, %sqrt3A_278, %sqrt3A_244 : vector<1x1024xf32>
    %max3A_280 = arith.maximumf %select_n3A_270, %bitcast_convert_type3A_274 : vector<1x1024xf32>
    %select_n3A_281 = arith.select %eq3A_279, %max3A_280, %select_n3A_270 : vector<1x1024xi1>, vector<1x1024xf32>
    %add3A_282 = arith.constant 0 : i32
    %add3A_283 = vector.broadcast %add3A_282 : i32 to vector<1x1024xi32>
    %add3A_284 = arith.addi %bitcast_convert_type3A_246, %add3A_283 : vector<1x1024xi32>
    %bitcast_convert_type3A_285 = tpu.bitcast %add3A_284 : vector<1x1024xi32> -> vector<1x1024xf32>
    %max3A_286 = arith.constant 0.000000e+00 : f32
    %max3A_287 = vector.broadcast %max3A_286 : f32 to vector<1x1024xf32>
    %max3A_288 = arith.maximumf %bitcast_convert_type3A_285, %max3A_287 : vector<1x1024xf32>
    %sqrt3A_289 = math.sqrt %max3A_288 : vector<1x1024xf32>
    %eq3A_290 = arith.cmpf oeq, %sqrt3A_289, %sqrt3A_244 : vector<1x1024xf32>
    %max3A_291 = arith.maximumf %select_n3A_281, %bitcast_convert_type3A_285 : vector<1x1024xf32>
    %select_n3A_292 = arith.select %eq3A_290, %max3A_291, %select_n3A_281 : vector<1x1024xi1>, vector<1x1024xf32>
    %add3A_293 = arith.constant 1 : i32
    %add3A_294 = vector.broadcast %add3A_293 : i32 to vector<1x1024xi32>
    %add3A_295 = arith.addi %bitcast_convert_type3A_246, %add3A_294 : vector<1x1024xi32>
    %bitcast_convert_type3A_296 = tpu.bitcast %add3A_295 : vector<1x1024xi32> -> vector<1x1024xf32>
    %max3A_297 = arith.constant 0.000000e+00 : f32
    %max3A_298 = vector.broadcast %max3A_297 : f32 to vector<1x1024xf32>
    %max3A_299 = arith.maximumf %bitcast_convert_type3A_296, %max3A_298 : vector<1x1024xf32>
    %sqrt3A_300 = math.sqrt %max3A_299 : vector<1x1024xf32>
    %eq3A_301 = arith.cmpf oeq, %sqrt3A_300, %sqrt3A_244 : vector<1x1024xf32>
    %max3A_302 = arith.maximumf %select_n3A_292, %bitcast_convert_type3A_296 : vector<1x1024xf32>
    %select_n3A_303 = arith.select %eq3A_301, %max3A_302, %select_n3A_292 : vector<1x1024xi1>, vector<1x1024xf32>
    %add3A_304 = arith.constant 2 : i32
    %add3A_305 = vector.broadcast %add3A_304 : i32 to vector<1x1024xi32>
    %add3A_306 = arith.addi %bitcast_convert_type3A_246, %add3A_305 : vector<1x1024xi32>
    %bitcast_convert_type3A_307 = tpu.bitcast %add3A_306 : vector<1x1024xi32> -> vector<1x1024xf32>
    %max3A_308 = arith.constant 0.000000e+00 : f32
    %max3A_309 = vector.broadcast %max3A_308 : f32 to vector<1x1024xf32>
    %max3A_310 = arith.maximumf %bitcast_convert_type3A_307, %max3A_309 : vector<1x1024xf32>
    %sqrt3A_311 = math.sqrt %max3A_310 : vector<1x1024xf32>
    %eq3A_312 = arith.cmpf oeq, %sqrt3A_311, %sqrt3A_244 : vector<1x1024xf32>
    %max3A_313 = arith.maximumf %select_n3A_303, %bitcast_convert_type3A_307 : vector<1x1024xf32>
    %select_n3A_314 = arith.select %eq3A_312, %max3A_313, %select_n3A_303 : vector<1x1024xi1>, vector<1x1024xf32>
    %add3A_315 = arith.constant 3 : i32
    %add3A_316 = vector.broadcast %add3A_315 : i32 to vector<1x1024xi32>
    %add3A_317 = arith.addi %bitcast_convert_type3A_246, %add3A_316 : vector<1x1024xi32>
    %bitcast_convert_type3A_318 = tpu.bitcast %add3A_317 : vector<1x1024xi32> -> vector<1x1024xf32>
    %max3A_319 = arith.constant 0.000000e+00 : f32
    %max3A_320 = vector.broadcast %max3A_319 : f32 to vector<1x1024xf32>
    %max3A_321 = arith.maximumf %bitcast_convert_type3A_318, %max3A_320 : vector<1x1024xf32>
    %sqrt3A_322 = math.sqrt %max3A_321 : vector<1x1024xf32>
    %eq3A_323 = arith.cmpf oeq, %sqrt3A_322, %sqrt3A_244 : vector<1x1024xf32>
    %max3A_324 = arith.maximumf %select_n3A_314, %bitcast_convert_type3A_318 : vector<1x1024xf32>
    %select_n3A_325 = arith.select %eq3A_323, %max3A_324, %select_n3A_314 : vector<1x1024xi1>, vector<1x1024xf32>
    %iota3A_326 = tpu.iota {dimensions = array<i32: 0>} : vector<2720x1024xi32>
    %add3A_327 = arith.constant 5472 : i32
    %add3A_328 = vector.broadcast %add3A_327 : i32 to vector<2720x1024xi32>
    %add3A_329 = arith.addi %iota3A_326, %add3A_328 : vector<2720x1024xi32>
    %le3A_330 = vector.broadcast %select_n3A_325 : vector<1x1024xf32> to vector<2720x1024xf32>
    %le3A_331 = arith.cmpf ole, %slice3A_237, %le3A_330 : vector<2720x1024xf32>
    %jit3A_332 = arith.constant 8192 : i32
    %broadcast_in_dim3A_333 = vector.broadcast %jit3A_332 : i32 to vector<2720x1024xi32>
    %select_n3A_334 = arith.select %le3A_331, %add3A_329, %broadcast_in_dim3A_333 : vector<2720x1024xi1>, vector<2720x1024xi32>
    %reduce_min3A_335 = arith.constant dense<2147483647> : vector<1024xi32>
    %reduce_min3A_336 = vector.multi_reduction <minsi>, %select_n3A_334, %reduce_min3A_335 [0] : vector<2720x1024xi32> to vector<1024xi32>
    %broadcast_in_dim3A_337 = vector.shape_cast %reduce_min3A_336 : vector<1024xi32> to vector<1x1024xi32>
    %lt3A_338 = arith.cmpf olt, %sqrt3A_244, %select_n3A_236 : vector<1x1024xf32>
    %select_n3A_339 = arith.select %lt3A_338, %broadcast_in_dim3A_337, %select_n3A_220 : vector<1x1024xi1>, vector<1x1024xi32>
    %reshape3A = vector.shape_cast %select_n3A_339 : vector<1x1024xi32> to vector<1x1x1024xi32>
    %swap3A = arith.constant 0 : index
    %swap3A_340 = arith.constant 0 : index
    %swap3A_341 = arith.constant 0 : index
    %swap3A_342 = vector.load %arg5[%swap3A, %swap3A_340, %swap3A_341] : memref<1x1x1024xi32, #tpu.memory_space<vmem>>, vector<1x1x1024xi32>
    tpu.vector_store %arg5[%swap3A, %swap3A_340, %swap3A_341], %reshape3A {strides = array<i32>} : memref<1x1x1024xi32, #tpu.memory_space<vmem>>, vector<1x1x1024xi32>,
    return
  }
  func.func @transform_0(%arg0: i32) -> (i32, i32) {
    %c0_i32 = arith.constant 0 : i32
    %c0_i32_0 = arith.constant 0 : i32
    return %arg0, %c0_i32 : i32, i32
  }
  func.func @transform_1(%arg0: i32) -> (i32, i32) {
    %c0_i32 = arith.constant 0 : i32
    %c0_i32_0 = arith.constant 0 : i32
    %c0_i32_1 = arith.constant 0 : i32
    return %c0_i32, %c0_i32_0 : i32, i32
  }
  func.func @transform_2(%arg0: i32) -> (i32, i32) {
    %c0_i32 = arith.constant 0 : i32
    %c0_i32_0 = arith.constant 0 : i32
    return %c0_i32, %arg0 : i32, i32
  }
  func.func @transform_3(%arg0: i32) -> (i32, i32) {
    %c0_i32 = arith.constant 0 : i32
    %c0_i32_0 = arith.constant 0 : i32
    %c0_i32_1 = arith.constant 0 : i32
    return %c0_i32, %c0_i32_0 : i32, i32
  }
  func.func @transform_4(%arg0: i32) -> (i32, i32, i32) {
    %c0_i32 = arith.constant 0 : i32
    %c0_i32_0 = arith.constant 0 : i32
    %c0_i32_1 = arith.constant 0 : i32
    return %arg0, %c0_i32, %c0_i32_0 : i32, i32, i32
  }
}

</mosaic_0001>

<sc_bundles>
// kernel: kernel.4.cloned.1.call-start
scs
__scs_entry_jumppad:
0x0: {  	(pc) =	sbr.rel $0x88, $3  }
0x1: {  	(tag) =	ssettag $0x0;
	lr =	simm.s32 $0x1  }
0x2: {  	[smem:$0x3F9F] =	sst lr;
	_ =	strace $0xD0000000  }
0x3: {  	_ = 	snop  }
0x4: {  	_ = 	snop  }
0x5: {  	_ = 	snop  }
0x6: {  	_ = 	snop  }
0x7: {  	_ = 	snop  }
__scs_overlays_trampoline_lowered:
0x8: {  	[smem:$0x3FAE] =	sst s0  }
0x9: {  	[smem:$0x3FAF] =	sst s1  }
0xa: {  	[smem:$0x3FB0] =	sst s2  }
0xb: {  	[smem:$0x3FB1] =	sst s3  }
0xc: {  	[smem:$0x3FB2] =	sst s4  }
0xd: {  	[smem:$0x3FB3] =	sst s5  }
0xe: {  	[smem:$0x3FB4] =	sst s6  }
0xf: {  	[smem:$0x3FB5] =	sst s7  }
0x10: {  	[smem:$0x3FB6] =	sst s8  }
0x11: {  	[smem:$0x3FB7] =	sst s9;
	s0 =	simm.s32 @!p0 $0x0  }
0x12: {  	s1 =	sld [smem:$0x3F9D];
	s0 =	simm.s32 @p0 $0x1  }
0x13: {  	[smem:$0x3FB8] =	sst s0;
	s0 =	simm.s32 @!p1 $0x0  }
0x14: {  	s2 =	sld [smem:$0x3F9C];
	s0 =	simm.s32 @p1 $0x1  }
0x15: {  	[smem:$0x3FB9] =	sst s0;
	s0 =	simm.s32 @!p2 $0x0  }
0x16: {  	s3 =	sld [smem:$0x3FDB];
	s0 =	simm.s32 @p2 $0x1  }
0x17: {  	s4 =	simm.s32 $0x1BF5;
	[smem:$0x3FBB] =	sst s0  }
0x18: {  	s0 =	sld [smem:$0x3F9E];
	_ =	swait.ge [sflag:s4], $0x0  }
0x19: {  	s7 =	sld [smem:$0x3F9F]  }
0x1a: {  	s8 =	sadd.s32 $0xFFFFE003, lr  }
0x1b: {  	s9 =	sadd.s32 $0xFFFFFEF7, lr;
	s5 =	simm.s32 $0xFFFFFFFF;
	p2 =	slt.u32 s8, $0xFFFFF086  }
0x1c: {  	p1 =	slt.u32 s9, $0xF7A;
	s5 =	simm.s32 @!p2 $0x0  }
0x1d: {  	s5 =	simm.s32 @p1 $0x1;
	p0 =	seq.s32 s7, s2  }
0x1e: {  	s7 =	smul.u32 @!p0 $0xF7A, s2;
	p2 =	seq.s32 @!p0 s5, $0x0  }
0x1f: {  	s9 =	smul.u32 $0xF7A, s1;
	s8 =	simm.s32 @!p0 $0x1BF5;
	p2 =	por !p2, p0  }
0x20: {  	[sflag:s8] =	ssyncset.s32 @!p0 $0xFFFFF086;
	s6 =	sadd.s32 @!p0 s3, s7;
	s7 =	simm.s32 @!p0 $0x108  }
0x21: {  	s3 =	sadd.s32 s3, s9;
	s6 =	sadd.s32 @!p0 $0x88, s6;
	s7 =	simm.s32 @p2 $0x1082  }
0x22: {  	[simem:s7], [sflag:s8] =	dma.local @!p0 [hbm:s6], $0xF7A  }
0x23: {  	s9 =	sor.u32 $0xD0000000, s2;
	s6 =	simm.s32 $0x108;
	_ =	swait.ge @!p0 [sflag:s8], $0x0  }
0x24: {  	s3 =	sadd.s32 $0x88, s3;
	s6 =	simm.s32 @!p1 $0x1082;
	[sflag:s4] =	ssyncset.s32 $0xFFFFF086  }
0x25: {  	[simem:s6], [sflag:s4] =	dma.local [hbm:s3], $0xF7A  }
0x26: {  	[smem:$0x3F9F] =	sst s1;
	(tag) =	ssettag s2;
	_ =	strace s9  }
0x27: {  	s1 =	sld [smem:$0x3FAF]  }
0x28: {  	s2 =	sld [smem:$0x3FB0]  }
0x29: {  	s4 =	sld [smem:$0x3FB2]  }
0x2a: {  	p0 =	seq.s32 s5, $0x0;
	s5 =	sld [smem:$0x3FB3]  }
0x2b: {  	s6 =	sld [smem:$0x3FB4]  }
0x2c: {  	s7 =	sld [smem:$0x3FB5]  }
0x2d: {  	s3 =	simm.s32 $0x108;
	s8 =	sld [smem:$0x3FB6]  }
0x2e: {  	s3 =	simm.s32 @!p0 $0x1082;
	s9 =	sld [smem:$0x3FB7]  }
0x2f: {  	lr =	sadd.s32 s0, s3;
	s0 =	sld [smem:$0x3FAE]  }
0x30: {  	s3 =	sld [smem:$0x3FB1]  }
0x31: {  	[smem:$0x3FBA] =	sst s10  }
0x32: {  	s10 =	sld [smem:$0x3FB8];
	_ =	sdelay $0x3  }
0x33: {  	p0 =	seq.s32 s10, $0x1;
	s10 =	sld [smem:$0x3FBA];
	_ =	sdelay $0x3  }
0x34: {  	[smem:$0x3FBA] =	sst s10  }
0x35: {  	s10 =	sld [smem:$0x3FB9];
	_ =	sdelay $0x3  }
0x36: {  	p1 =	seq.s32 s10, $0x1;
	s10 =	sld [smem:$0x3FBA];
	_ =	sdelay $0x3  }
0x37: {  	[smem:$0x3FBA] =	sst s10  }
0x38: {  	s10 =	sld [smem:$0x3FBB]  }
0x39: {  	_ = 	snop;
	(pc) =	sbr.ind lr, $3  }
0x3a: {  	_ = 	snop  }
0x3b: {  	_ = 	snop  }
0x3c: {  	p2 =	seq.s32 s10, $0x1;
	s10 =	sld [smem:$0x3FBA]  }
0x3d: {  	_ =	shalt  }
0x3e: {  	_ =	shalt  }
0x3f: {  	_ =	shalt  }
0x40: {  	_ =	shalt  }
0x41: {  	_ =	shalt  }
0x42: {  	_ =	shalt  }
0x43: {  	_ =	shalt  }
0x44: {  	_ =	shalt  }
0x45: {  	_ =	shalt  }
0x46: {  	_ =	shalt  }
0x47: {  	_ =	shalt  }
0x48: {  	_ =	shalt  }
0x49: {  	_ =	shalt  }
0x4a: {  	_ =	shalt  }
0x4b: {  	_ =	shalt  }
0x4c: {  	_ =	shalt  }
0x4d: {  	_ =	shalt  }
0x4e: {  	_ =	shalt  }
0x4f: {  	_ =	shalt  }
0x50: {  	_ =	shalt  }
0x51: {  	_ =	shalt  }
0x52: {  	_ =	shalt  }
0x53: {  	_ =	shalt  }
0x54: {  	_ =	shalt  }
0x55: {  	_ =	shalt  }
0x56: {  	_ =	shalt  }
0x57: {  	_ =	shalt  }
0x58: {  	_ =	shalt  }
0x59: {  	_ =	shalt  }
0x5a: {  	_ =	shalt  }
0x5b: {  	_ =	shalt  }
0x5c: {  	_ =	shalt  }
0x5d: {  	_ =	shalt  }
0x5e: {  	_ =	shalt  }
0x5f: {  	_ =	shalt  }
0x60: {  	_ =	shalt  }
0x61: {  	_ =	shalt  }
0x62: {  	_ =	shalt  }
0x63: {  	_ =	shalt  }
0x64: {  	_ =	shalt  }
0x65: {  	_ =	shalt  }
0x66: {  	_ =	shalt  }
0x67: {  	_ =	shalt  }
0x68: {  	_ =	shalt  }
0x69: {  	_ =	shalt  }
0x6a: {  	_ =	shalt  }
0x6b: {  	_ =	shalt  }
0x6c: {  	_ =	shalt  }
0x6d: {  	_ =	shalt  }
0x6e: {  	_ =	shalt  }
0x6f: {  	_ =	shalt  }
0x70: {  	_ =	shalt  }
0x71: {  	_ =	shalt  }
0x72: {  	_ =	shalt  }
0x73: {  	_ =	shalt  }
0x74: {  	_ =	shalt  }
0x75: {  	_ =	shalt  }
0x76: {  	_ =	shalt  }
0x77: {  	_ =	shalt  }
0x78: {  	_ =	shalt  }
0x79: {  	_ =	shalt  }
0x7a: {  	_ =	shalt  }
0x7b: {  	_ =	shalt  }
0x7c: {  	_ =	shalt  }
0x7d: {  	_ =	shalt  }
0x7e: {  	_ =	shalt  }
0x7f: {  	_ =	shalt  }
0x80: {  	_ =	shalt  }
0x81: {  	_ =	shalt  }
0x82: {  	_ =	shalt  }
0x83: {  	_ =	shalt  }
0x84: {  	_ =	shalt  }
0x85: {  	_ =	shalt  }
0x86: {  	_ =	shalt  }
0x87: {  	_ =	shalt  }
.Lfunc_end0:
.L_simem_size_0:
called_computation_lowered:
.L_overlay_start_0:
0x88: {  	s2 =	sld [smem:$0x3FD9]  }
0x89: {  	s3 =	sld [smem:$0x3FFE];
	_ =	sdelay $0x1  }
0x8a: {  	s1 =	srdreg.scid  }
0x8b: {  	s0 =	sand.u32 $0x1, s1  }
0x8c: {  	s17 =	sshll.u32 s0, $0xA;
	s2 =	sadd.s32 s3, s2  }
0x8d: {  	s2 =	sadd.s32 s2, s17  }
0x8e: {  	[smem:$0x3FC6] =	sst s2  }
0x8f: {  	_ = 	snop  }
0x90: {  	s2 =	sld [smem:$0x3FC8]  }
0x91: {  	s18 =	sld [smem:$0x3FD0];
	(tm) =	ssettm $0x1  }
0x92: {  	s4 =	sld [smem:$0x3FFB];
	_ =	sdelay $0x3  }
0x93: {  	_ =	strace s4  }
0x94: {  	s4 =	sld [smem:$0x3FFC];
	_ =	sdelay $0x3  }
0x95: {  	_ =	strace s4  }
0x96: {  	s4 =	sld [smem:$0x3FFD];
	_ =	sdelay $0x3  }
0x97: {  	_ =	strace s4  }
0x98: {  	_ =	strace $0x8FFFFFFF  }
0x99: {  	s19 =	sld [smem:$0x3FDB];
	_ =	sdelay $0x1  }
0x9a: {  	s5 =	simm.s32 $_scs_section_size  }
0x9b: {  	s6 =	simm.s32 $_size__tile_overlayer_lowered;
	s7 =	simm.s32 $_tile_overlayer_lowered  }
0x9c: {  	s22 =	simm.s32 $0x1BFF;
	s21 =	sshll.u32 s7, $0x1;
	s4 =	sadd.s32 s5, s19  }
0x9d: {  	s8 =	simm.s32 $0x0;
	s20 =	sshll.u32 s6, $0x1;
	s6 =	sadd.s32 s21, s4  }
0x9e: {  	[timem:s8], [sflag:s22] =	dma.local [hbm:s6], s20  }
0x9f: {  	_ =	swait.ge [sflag:s22], s20  }
0xa0: {  	s5 =	ssub.s32 $0x0, s20;
	[sflag:s22] =	ssyncset.done $0x0  }
0xa1: {  	[sflag:s22] =	ssyncadd.s32 s5;
	_ =	sdelay $0x1  }
0xa2: {  	s23 =	simm.s32 $0x1B8B  }
0xa3: {  	_ =	swait.ge [sflag:s23], $0x1  }
0xa4: {  	[sflag:s23] =	ssyncset.done $0x0  }
0xa5: {  	s25 =	simm.s32 $0x1B8E;
	s24 =	sld [smem:$0x3FFE];
	[sflag:s23] =	ssyncadd.s32 $0xFFFFFFFF  }
0xa6: {  	s26 =	simm.s32 $execute0_lowered;
	[smem:$0x3FD2] =	sst s25  }
0xa7: {  	s6 =	sshll.u32 s26, $0x1;
	_ =	strace $0x80000046;
	[dreg:$0x1] =	wrdreg $0xFFFFFFFF  }
0xa8: {  	s28 =	simm.s32 $_size_execute0_lowered;
	s4 =	sadd.s32 s4, s6;
	[dreg:$0x0] =	wrdreg $0x0  }
0xa9: {  	s6 =	sshll.u32 s28, $0x1;
	[dreg:$0x2] =	wrdreg s4  }
0xaa: {  	[dreg:$0x3] =	wrdreg s6  }
0xab: {  	[dreg:$0x4] =	wrdreg $0xC0  }
0xac: {  	_ =	task [dreg:s8], $0x5FFFF  }
0xad: {  	[dreg:$0x1] =	wrdreg $0xFFFFFFFF  }
0xae: {  	[dreg:$0x0] =	wrdreg $0x60  }
0xaf: {  	[dreg:$0x2] =	wrdreg s2  }
0xb0: {  	[dreg:$0x3] =	wrdreg s24  }
0xb1: {  	[dreg:$0x4] =	wrdreg s18  }
0xb2: {  	[dreg:$0x5] =	wrdreg $0x9  }
0xb3: {  	_ =	task.clear_ibuf [dreg:s8], $0x6FFFF;
	_ =	strace $0x90000046  }
0xb4: {  	s29 =	simm.s32 $0x9;
	_ =	strace $0x80000048  }
0xb5: {  	_ =	swait.ge [sflag:s29], $0x1  }
0xb6: {  	[sflag:s29] =	ssyncadd.s32 $0xFFFFFFFF  }
0xb7: {  	_ =	strace $0x90000048  }
0xb8: {  	_ =	sfence  }
0xb9: {  	s30 =	sld [smem:$0x0];
	_ =	sdelay $0x2  }
0xba: {  	s31 =	sshll.u32 s1, $0xD;
	s1 =	sshrl.u32 s1, $0x2  }
0xbb: {  	s3 =	sand.u32 $0x4000, s31;
	s1 =	sadd.s32 s1, s30  }
0xbc: {  	s0 =	sor.u32 s3, s0;
	s1 =	sshll.u32 s1, $0x11  }
0xbd: {  	s0 =	sor.u32 s1, s0  }
0xbe: {  	s0 =	sadd.s32 $0x8F2B, s0  }
0xbf: {  	[sflag:s0] =	ssyncadd.remote.s32 $0x1  }
0xc0: {  	_ =	sfence.sel $0xFFFF  }
0xc1: {  	[dreg:$0x0] =	wrdreg $0xFFFFFFFF;
	(pc) =	sbr.abs _section_cstart, $3  }
0xc2: {  	[dreg:$0x1] =	wrdreg $0xFFFFFFFF  }
0xc3: {  	_ =	task.clear_ibuf [dreg:s8], $0x2FFFF;
	_ =	strace $0x9FFFFFFF  }
0xc4: {  	(tm) =	ssettm $0x7FFFFFFF  }
0xc5: {  	_ =	shalt  }
tec
execute0_lowered:
.L_overlay_start_1:
0x0: {  	(tag) =	ssettag $0x1  }
0x1: {  	s1 =	rddreg [dreg:$0x0]  }
0x2: {  	s2 =	rddreg [dreg:$0x1];
	s3 =	srdreg.scid  }
0x3: {  	s0 =	stileid.u32;
	s4 =	rddreg [dreg:$0x2];
	s15 =	simm.s32 $0xA00  }
0x4: {  	s16 =	simm.s32 $0x1200;
	s17 =	simm.s32 $0x1A00;
	s18 =	simm.s32 $0x2200  }
0x5: {  	s19 =	simm.s32 $0x2A00;
	s5 =	sand.u32 $0x1, s3;
	s3 =	simm.s32 $0x0  }
0x6: {  	s20 =	simm.s32 $0x3200;
	s22 =	simm.s32 $0x3A00;
	[smem:$0x7FF] =	sst s3  }
0x7: {  	s23 =	simm.s32 $0x4200;
	_ =	strace $0x80000047;
	[dreg:$0x6] =	wrdreg s15  }
0x8: {  	s24 =	simm.s32 $0x4A00;
	s25 =	simm.s32 $0x5200;
	[dreg:$0x7] =	wrdreg s16  }
0x9: {  	s26 =	simm.s32 $0x5A00;
	s8 =	simm.s32 $0x6A00;
	[dreg:$0x8] =	wrdreg s17  }
0xa: {  	s9 =	simm.s32 $0x7200;
	s10 =	simm.s32 $0x7A00;
	[dreg:$0x9] =	wrdreg s18  }
0xb: {  	s11 =	simm.s32 $0x8200;
	s12 =	simm.s32 $0x8A00;
	[dreg:$0xa] =	wrdreg s19  }
0xc: {  	s13 =	simm.s32 $0x9200;
	s28 =	simm.s32 $0x10200;
	[dreg:$0xb] =	wrdreg s20  }
0xd: {  	s29 =	simm.s32 $0x10A00;
	s30 =	simm.s32 $0x11200;
	[dreg:$0xc] =	wrdreg s22  }
0xe: {  	s31 =	simm.s32 $0x11A00;
	s6 =	sshll.u32 s0, $0x1;
	[dreg:$0xd] =	wrdreg s23  }
0xf: {  	s6 =	sor.u32 s5, s6;
	s21 =	ssub.s32 $0x2, s5;
	[dreg:$0xe] =	wrdreg s24  }
0x10: {  	s7 =	sshll.u32 s6, $0x6;
	s6 =	smul.u32 $0x2400, s6;
	[dreg:$0xf] =	wrdreg s25  }
0x11: {  	s5 =	sshrl.u32 s21, $0x1;
	[dreg:$0x10] =	wrdreg s26;
	s15 =	simm.s32 $0xA200  }
0x12: {  	s16 =	simm.s32 $0xAA00;
	s17 =	simm.s32 $0xB200;
	s18 =	simm.s32 $0xBA00  }
0x13: {  	s19 =	simm.s32 $0xC200;
	s20 =	simm.s32 $0xCA00;
	s22 =	simm.s32 $0xDA00  }
0x14: {  	s23 =	simm.s32 $0xE200;
	s24 =	simm.s32 $0xEA00;
	s2 =	sadd.s32 s2, s7  }
0x15: {  	s25 =	simm.s32 $0xF200;
	s26 =	simm.s32 $0xFA00;
	[dreg:$0x4] =	wrdreg s2  }
0x16: {  	v2 =	vlaneseq.u32;
	s14 =	sadd.s32 s4, s6;
	s4 =	ssub.s32 s21, s5;
	s5 =	simm.s32 $0x2  }
0x17: {  	vm0 =	vmmov $0xffff;
	v1 =	vshrl.u32 v2, $0x3;
	s6 =	simm.s32 $0x200;
	s21 =	simm.s32 $0xD200;
	s2 =	simm.s32 $0x1  }
0x18: {  	v0 =	vand.u32 $0x7, v2;
	v2 =	vor.u32 $0x8, v2;
	v1 =	vmul.u32 $0x8, v1;
	[dreg:$0x5] =	wrdreg s14;
	s4 =	smax.u32 s4, $0x1;
	s14 =	simm.s32 $0x9A00  }
.LBB2_1:
0x19: {  	s0 =	rddreg [dreg:$0x4]  }
0x1a: {  	[tilespmem:s3], [sflag:$0x2] =	stream.linear.gather [hbm4b:s0+s3], $0x180, $0x38;
	[tilespmem:$0x12200] =	vst v63  }
0x1b: {  	_ =	swait.ge [sflag:s5], $0x180  }
0x1c: {  	[sflag:s5] =	ssyncset.done $0x0  }
0x1d: {  	[sflag:s5] =	ssyncadd.s32 $0xFFFFFE80  }
0x1e: {  	v3 =	vld [tilespmem:$0x0];
	_ =	sdelay $0x4  }
0x1f: {  	v4 =	vshll.u32 v3, $0x1  }
0x20: {  	v3 =	vand.u32 $0x7, v3;
	v4 =	vand.u32 $0xFFFFFFF0, v4  }
0x21: {  	v3 =	vor.u32 v3, v4  }
0x22: {  	v4 =	vperm.xlane v3, v0;
	_ =	sdelay $0x1  }
0x23: {  	v3 =	vperm.xlane v3, v2;
	v4 =	vadd.s32 v1, v4;
	_ =	sdelay $0x1  }
0x24: {  	v3 =	vadd.s32 v1, v3;
	_ =	sdelay $0x2  }
0x25: {  	[tilespmem:s6], [sflag:$0x1] =	stream.indirect_vreg.gather [hbm4b:s1+s3], $0x80, v4, vm0, $0xb8;
	[tilespmem:$0x12200] =	vst v63  }
0x26: {  	s7 =	rddreg [dreg:$0x6]  }
0x27: {  	[tilespmem:s7], [sflag:$0x1] =	stream.indirect_vreg.gather [hbm4b:s1+s3], $0x80, v3, vm0, $0xb8;
	[tilespmem:$0x12200] =	vst v63  }
0x28: {  	v3 =	vld [tilespmem:$0x10];
	_ =	sdelay $0x4  }
0x29: {  	v47 =	vshll.u32 v3, $0x1  }
0x2a: {  	v3 =	vand.u32 $0x7, v3;
	v4 =	vand.u32 $0xFFFFFFF0, v47  }
0x2b: {  	v3 =	vor.u32 v3, v4  }
0x2c: {  	v4 =	vperm.xlane v3, v0;
	_ =	sdelay $0x1  }
0x2d: {  	v3 =	vperm.xlane v3, v2;
	v4 =	vadd.s32 v1, v4;
	_ =	sdelay $0x1  }
0x2e: {  	v3 =	vadd.s32 v1, v3;
	_ =	sdelay $0x1  }
0x2f: {  	s0 =	rddreg [dreg:$0x7]  }
0x30: {  	[tilespmem:s0], [sflag:$0x1] =	stream.indirect_vreg.gather [hbm4b:s1+s3], $0x80, v4, vm0, $0xb8;
	[tilespmem:$0x12200] =	vst v63  }
0x31: {  	s7 =	rddreg [dreg:$0x8]  }
0x32: {  	[tilespmem:s7], [sflag:$0x1] =	stream.indirect_vreg.gather [hbm4b:s1+s3], $0x80, v3, vm0, $0xb8;
	[tilespmem:$0x12200] =	vst v63  }
0x33: {  	v3 =	vld [tilespmem:$0x20];
	_ =	sdelay $0x4  }
0x34: {  	v48 =	vshll.u32 v3, $0x1  }
0x35: {  	v3 =	vand.u32 $0x7, v3;
	v4 =	vand.u32 $0xFFFFFFF0, v48  }
0x36: {  	v3 =	vor.u32 v3, v4  }
0x37: {  	v4 =	vperm.xlane v3, v0;
	_ =	sdelay $0x1  }
0x38: {  	v3 =	vperm.xlane v3, v2;
	v4 =	vadd.s32 v1, v4;
	_ =	sdelay $0x1  }
0x39: {  	v3 =	vadd.s32 v1, v3;
	_ =	sdelay $0x1  }
0x3a: {  	s0 =	rddreg [dreg:$0x9]  }
0x3b: {  	[tilespmem:s0], [sflag:$0x1] =	stream.indirect_vreg.gather [hbm4b:s1+s3], $0x80, v4, vm0, $0xb8;
	[tilespmem:$0x12200] =	vst v63  }
0x3c: {  	s7 =	rddreg [dreg:$0xa]  }
0x3d: {  	[tilespmem:s7], [sflag:$0x1] =	stream.indirect_vreg.gather [hbm4b:s1+s3], $0x80, v3, vm0, $0xb8;
	[tilespmem:$0x12200] =	vst v63  }
0x3e: {  	v3 =	vld [tilespmem:$0x30];
	_ =	sdelay $0x4  }
0x3f: {  	v49 =	vshll.u32 v3, $0x1  }
0x40: {  	v3 =	vand.u32 $0x7, v3;
	v4 =	vand.u32 $0xFFFFFFF0, v49  }
0x41: {  	v3 =	vor.u32 v3, v4  }
0x42: {  	v4 =	vperm.xlane v3, v0;
	_ =	sdelay $0x1  }
0x43: {  	v3 =	vperm.xlane v3, v2;
	v4 =	vadd.s32 v1, v4;
	_ =	sdelay $0x1  }
0x44: {  	v3 =	vadd.s32 v1, v3;
	_ =	sdelay $0x1  }
0x45: {  	s0 =	rddreg [dreg:$0xb]  }
0x46: {  	[tilespmem:s0], [sflag:$0x1] =	stream.indirect_vreg.gather [hbm4b:s1+s3], $0x80, v4, vm0, $0xb8;
	[tilespmem:$0x12200] =	vst v63  }
0x47: {  	s7 =	rddreg [dreg:$0xc]  }
0x48: {  	[tilespmem:s7], [sflag:$0x1] =	stream.indirect_vreg.gather [hbm4b:s1+s3], $0x80, v3, vm0, $0xb8;
	[tilespmem:$0x12200] =	vst v63  }
0x49: {  	v3 =	vld [tilespmem:$0x40];
	_ =	sdelay $0x4  }
0x4a: {  	v50 =	vshll.u32 v3, $0x1  }
0x4b: {  	v3 =	vand.u32 $0x7, v3;
	v4 =	vand.u32 $0xFFFFFFF0, v50  }
0x4c: {  	v3 =	vor.u32 v3, v4  }
0x4d: {  	v4 =	vperm.xlane v3, v0;
	_ =	sdelay $0x1  }
0x4e: {  	v3 =	vperm.xlane v3, v2;
	v4 =	vadd.s32 v1, v4;
	_ =	sdelay $0x1  }
0x4f: {  	v3 =	vadd.s32 v1, v3;
	_ =	sdelay $0x1  }
0x50: {  	s0 =	rddreg [dreg:$0xd]  }
0x51: {  	[tilespmem:s0], [sflag:$0x1] =	stream.indirect_vreg.gather [hbm4b:s1+s3], $0x80, v4, vm0, $0xb8;
	[tilespmem:$0x12200] =	vst v63  }
0x52: {  	s7 =	rddreg [dreg:$0xe]  }
0x53: {  	[tilespmem:s7], [sflag:$0x1] =	stream.indirect_vreg.gather [hbm4b:s1+s3], $0x80, v3, vm0, $0xb8;
	[tilespmem:$0x12200] =	vst v63  }
0x54: {  	v3 =	vld [tilespmem:$0x50];
	_ =	sdelay $0x4  }
0x55: {  	v51 =	vshll.u32 v3, $0x1  }
0x56: {  	v3 =	vand.u32 $0x7, v3;
	v4 =	vand.u32 $0xFFFFFFF0, v51  }
0x57: {  	v3 =	vor.u32 v3, v4  }
0x58: {  	v4 =	vperm.xlane v3, v0;
	_ =	sdelay $0x1  }
0x59: {  	v3 =	vperm.xlane v3, v2;
	v4 =	vadd.s32 v1, v4;
	_ =	sdelay $0x1  }
0x5a: {  	v3 =	vadd.s32 v1, v3;
	_ =	sdelay $0x1  }
0x5b: {  	s0 =	rddreg [dreg:$0xf]  }
0x5c: {  	[tilespmem:s0], [sflag:$0x1] =	stream.indirect_vreg.gather [hbm4b:s1+s3], $0x80, v4, vm0, $0xb8;
	[tilespmem:$0x12200] =	vst v63  }
0x5d: {  	s7 =	rddreg [dreg:$0x10]  }
0x5e: {  	[tilespmem:s7], [sflag:$0x1] =	stream.indirect_vreg.gather [hbm4b:s1+s3], $0x80, v3, vm0, $0xb8;
	[tilespmem:$0x12200] =	vst v63  }
0x5f: {  	v3 =	vld [tilespmem:$0x80];
	_ =	sdelay $0x4  }
0x60: {  	v52 =	vshll.u32 v3, $0x1  }
0x61: {  	v3 =	vand.u32 $0x7, v3;
	v4 =	vand.u32 $0xFFFFFFF0, v52  }
0x62: {  	v3 =	vor.u32 v3, v4  }
0x63: {  	v4 =	vperm.xlane v3, v0;
	_ =	sdelay $0x1  }
0x64: {  	v3 =	vperm.xlane v3, v2;
	v4 =	vadd.s32 v1, v4;
	_ =	sdelay $0x1  }
0x65: {  	v3 =	vadd.s32 v1, v3;
	_ =	sdelay $0x1  }
0x66: {  	s7 =	simm.s32 $0x6200  }
0x67: {  	[tilespmem:s7], [sflag:$0x1] =	stream.indirect_vreg.gather [hbm4b:s1+s3], $0x80, v4, vm0, $0xb8;
	[tilespmem:$0x12200] =	vst v63  }
0x68: {  	_ = 	snop  }
0x69: {  	[tilespmem:s8], [sflag:$0x1] =	stream.indirect_vreg.gather [hbm4b:s1+s3], $0x80, v3, vm0, $0xb8;
	[tilespmem:$0x12200] =	vst v63  }
0x6a: {  	v3 =	vld [tilespmem:$0x90];
	_ =	sdelay $0x4  }
0x6b: {  	v53 =	vshll.u32 v3, $0x1  }
0x6c: {  	v3 =	vand.u32 $0x7, v3;
	v4 =	vand.u32 $0xFFFFFFF0, v53  }
0x6d: {  	v3 =	vor.u32 v3, v4  }
0x6e: {  	v4 =	vperm.xlane v3, v0;
	_ =	sdelay $0x1  }
0x6f: {  	v3 =	vperm.xlane v3, v2;
	v4 =	vadd.s32 v1, v4;
	_ =	sdelay $0x1  }
0x70: {  	v3 =	vadd.s32 v1, v3;
	_ =	sdelay $0x2  }
0x71: {  	[tilespmem:s9], [sflag:$0x1] =	stream.indirect_vreg.gather [hbm4b:s1+s3], $0x80, v4, vm0, $0xb8;
	[tilespmem:$0x12200] =	vst v63  }
0x72: {  	_ = 	snop  }
0x73: {  	[tilespmem:s10], [sflag:$0x1] =	stream.indirect_vreg.gather [hbm4b:s1+s3], $0x80, v3, vm0, $0xb8;
	[tilespmem:$0x12200] =	vst v63  }
0x74: {  	v3 =	vld [tilespmem:$0xA0];
	_ =	sdelay $0x4  }
0x75: {  	v54 =	vshll.u32 v3, $0x1  }
0x76: {  	v3 =	vand.u32 $0x7, v3;
	v4 =	vand.u32 $0xFFFFFFF0, v54  }
0x77: {  	v3 =	vor.u32 v3, v4  }
0x78: {  	v4 =	vperm.xlane v3, v0;
	_ =	sdelay $0x1  }
0x79: {  	v3 =	vperm.xlane v3, v2;
	v4 =	vadd.s32 v1, v4;
	_ =	sdelay $0x1  }
0x7a: {  	v3 =	vadd.s32 v1, v3;
	_ =	sdelay $0x2  }
0x7b: {  	[tilespmem:s11], [sflag:$0x1] =	stream.indirect_vreg.gather [hbm4b:s1+s3], $0x80, v4, vm0, $0xb8;
	[tilespmem:$0x12200] =	vst v63  }
0x7c: {  	_ = 	snop  }
0x7d: {  	[tilespmem:s12], [sflag:$0x1] =	stream.indirect_vreg.gather [hbm4b:s1+s3], $0x80, v3, vm0, $0xb8;
	[tilespmem:$0x12200] =	vst v63  }
0x7e: {  	v3 =	vld [tilespmem:$0xB0];
	_ =	sdelay $0x4  }
0x7f: {  	v55 =	vshll.u32 v3, $0x1  }
0x80: {  	v3 =	vand.u32 $0x7, v3;
	v4 =	vand.u32 $0xFFFFFFF0, v55  }
0x81: {  	v3 =	vor.u32 v3, v4  }
0x82: {  	v4 =	vperm.xlane v3, v0;
	_ =	sdelay $0x1  }
0x83: {  	v3 =	vperm.xlane v3, v2;
	v4 =	vadd.s32 v1, v4;
	_ =	sdelay $0x1  }
0x84: {  	v3 =	vadd.s32 v1, v3;
	_ =	sdelay $0x2  }
0x85: {  	[tilespmem:s13], [sflag:$0x1] =	stream.indirect_vreg.gather [hbm4b:s1+s3], $0x80, v4, vm0, $0xb8;
	[tilespmem:$0x12200] =	vst v63  }
0x86: {  	_ = 	snop  }
0x87: {  	[tilespmem:s14], [sflag:$0x1] =	stream.indirect_vreg.gather [hbm4b:s1+s3], $0x80, v3, vm0, $0xb8;
	[tilespmem:$0x12200] =	vst v63  }
0x88: {  	v3 =	vld [tilespmem:$0xC0];
	_ =	sdelay $0x4  }
0x89: {  	v56 =	vshll.u32 v3, $0x1  }
0x8a: {  	v3 =	vand.u32 $0x7, v3;
	v4 =	vand.u32 $0xFFFFFFF0, v56  }
0x8b: {  	v3 =	vor.u32 v3, v4  }
0x8c: {  	v4 =	vperm.xlane v3, v0;
	_ =	sdelay $0x1  }
0x8d: {  	v3 =	vperm.xlane v3, v2;
	v4 =	vadd.s32 v1, v4;
	_ =	sdelay $0x1  }
0x8e: {  	v3 =	vadd.s32 v1, v3;
	_ =	sdelay $0x2  }
0x8f: {  	[tilespmem:s15], [sflag:$0x1] =	stream.indirect_vreg.gather [hbm4b:s1+s3], $0x80, v4, vm0, $0xb8;
	[tilespmem:$0x12200] =	vst v63  }
0x90: {  	_ = 	snop  }
0x91: {  	[tilespmem:s16], [sflag:$0x1] =	stream.indirect_vreg.gather [hbm4b:s1+s3], $0x80, v3, vm0, $0xb8;
	[tilespmem:$0x12200] =	vst v63  }
0x92: {  	v3 =	vld [tilespmem:$0xD0];
	_ =	sdelay $0x4  }
0x93: {  	v57 =	vshll.u32 v3, $0x1  }
0x94: {  	v3 =	vand.u32 $0x7, v3;
	v4 =	vand.u32 $0xFFFFFFF0, v57  }
0x95: {  	v3 =	vor.u32 v3, v4  }
0x96: {  	v4 =	vperm.xlane v3, v0;
	_ =	sdelay $0x1  }
0x97: {  	v3 =	vperm.xlane v3, v2;
	v4 =	vadd.s32 v1, v4;
	_ =	sdelay $0x1  }
0x98: {  	v3 =	vadd.s32 v1, v3;
	_ =	sdelay $0x2  }
0x99: {  	[tilespmem:s17], [sflag:$0x1] =	stream.indirect_vreg.gather [hbm4b:s1+s3], $0x80, v4, vm0, $0xb8;
	[tilespmem:$0x12200] =	vst v63  }
0x9a: {  	_ = 	snop  }
0x9b: {  	[tilespmem:s18], [sflag:$0x1] =	stream.indirect_vreg.gather [hbm4b:s1+s3], $0x80, v3, vm0, $0xb8;
	[tilespmem:$0x12200] =	vst v63  }
0x9c: {  	v3 =	vld [tilespmem:$0x100];
	_ =	sdelay $0x4  }
0x9d: {  	v58 =	vshll.u32 v3, $0x1  }
0x9e: {  	v3 =	vand.u32 $0x7, v3;
	v4 =	vand.u32 $0xFFFFFFF0, v58  }
0x9f: {  	v3 =	vor.u32 v3, v4  }
0xa0: {  	v4 =	vperm.xlane v3, v0;
	_ =	sdelay $0x1  }
0xa1: {  	v3 =	vperm.xlane v3, v2;
	v4 =	vadd.s32 v1, v4;
	_ =	sdelay $0x1  }
0xa2: {  	v3 =	vadd.s32 v1, v3;
	_ =	sdelay $0x2  }
0xa3: {  	[tilespmem:s19], [sflag:$0x1] =	stream.indirect_vreg.gather [hbm4b:s1+s3], $0x80, v4, vm0, $0xb8;
	[tilespmem:$0x12200] =	vst v63  }
0xa4: {  	_ = 	snop  }
0xa5: {  	[tilespmem:s20], [sflag:$0x1] =	stream.indirect_vreg.gather [hbm4b:s1+s3], $0x80, v3, vm0, $0xb8;
	[tilespmem:$0x12200] =	vst v63  }
0xa6: {  	v3 =	vld [tilespmem:$0x110];
	_ =	sdelay $0x4  }
0xa7: {  	v59 =	vshll.u32 v3, $0x1  }
0xa8: {  	v3 =	vand.u32 $0x7, v3;
	v4 =	vand.u32 $0xFFFFFFF0, v59  }
0xa9: {  	v3 =	vor.u32 v3, v4  }
0xaa: {  	v4 =	vperm.xlane v3, v0;
	_ =	sdelay $0x1  }
0xab: {  	v3 =	vperm.xlane v3, v2;
	v4 =	vadd.s32 v1, v4;
	_ =	sdelay $0x1  }
0xac: {  	v3 =	vadd.s32 v1, v3;
	_ =	sdelay $0x2  }
0xad: {  	[tilespmem:s21], [sflag:$0x1] =	stream.indirect_vreg.gather [hbm4b:s1+s3], $0x80, v4, vm0, $0xb8;
	[tilespmem:$0x12200] =	vst v63  }
0xae: {  	_ = 	snop  }
0xaf: {  	[tilespmem:s22], [sflag:$0x1] =	stream.indirect_vreg.gather [hbm4b:s1+s3], $0x80, v3, vm0, $0xb8;
	[tilespmem:$0x12200] =	vst v63  }
0xb0: {  	v3 =	vld [tilespmem:$0x120];
	_ =	sdelay $0x4  }
0xb1: {  	v60 =	vshll.u32 v3, $0x1  }
0xb2: {  	v3 =	vand.u32 $0x7, v3;
	v4 =	vand.u32 $0xFFFFFFF0, v60  }
0xb3: {  	v3 =	vor.u32 v3, v4  }
0xb4: {  	v4 =	vperm.xlane v3, v0;
	_ =	sdelay $0x1  }
0xb5: {  	v3 =	vperm.xlane v3, v2;
	v4 =	vadd.s32 v1, v4;
	_ =	sdelay $0x1  }
0xb6: {  	v3 =	vadd.s32 v1, v3;
	_ =	sdelay $0x2  }
0xb7: {  	[tilespmem:s23], [sflag:$0x1] =	stream.indirect_vreg.gather [hbm4b:s1+s3], $0x80, v4, vm0, $0xb8;
	[tilespmem:$0x12200] =	vst v63  }
0xb8: {  	_ = 	snop  }
0xb9: {  	[tilespmem:s24], [sflag:$0x1] =	stream.indirect_vreg.gather [hbm4b:s1+s3], $0x80, v3, vm0, $0xb8;
	[tilespmem:$0x12200] =	vst v63  }
0xba: {  	v3 =	vld [tilespmem:$0x130];
	_ =	sdelay $0x4  }
0xbb: {  	v61 =	vshll.u32 v3, $0x1  }
0xbc: {  	v3 =	vand.u32 $0x7, v3;
	v4 =	vand.u32 $0xFFFFFFF0, v61  }
0xbd: {  	v3 =	vor.u32 v3, v4  }
0xbe: {  	v4 =	vperm.xlane v3, v0;
	_ =	sdelay $0x1  }
0xbf: {  	v3 =	vperm.xlane v3, v2;
	v4 =	vadd.s32 v1, v4;
	_ =	sdelay $0x1  }
0xc0: {  	v3 =	vadd.s32 v1, v3;
	_ =	sdelay $0x2  }
0xc1: {  	[tilespmem:s25], [sflag:$0x1] =	stream.indirect_vreg.gather [hbm4b:s1+s3], $0x80, v4, vm0, $0xb8;
	[tilespmem:$0x12200] =	vst v63  }
0xc2: {  	_ = 	snop  }
0xc3: {  	[tilespmem:s26], [sflag:$0x1] =	stream.indirect_vreg.gather [hbm4b:s1+s3], $0x80, v3, vm0, $0xb8;
	[tilespmem:$0x12200] =	vst v63  }
0xc4: {  	v3 =	vld [tilespmem:$0x140];
	_ =	sdelay $0x4  }
0xc5: {  	v62 =	vshll.u32 v3, $0x1  }
0xc6: {  	v3 =	vand.u32 $0x7, v3;
	v4 =	vand.u32 $0xFFFFFFF0, v62  }
0xc7: {  	v3 =	vor.u32 v3, v4  }
0xc8: {  	v4 =	vperm.xlane v3, v0;
	_ =	sdelay $0x1  }
0xc9: {  	v3 =	vperm.xlane v3, v2;
	v4 =	vadd.s32 v1, v4;
	_ =	sdelay $0x1  }
0xca: {  	v3 =	vadd.s32 v1, v3;
	_ =	sdelay $0x2  }
0xcb: {  	[tilespmem:s28], [sflag:$0x1] =	stream.indirect_vreg.gather [hbm4b:s1+s3], $0x80, v4, vm0, $0xb8;
	[tilespmem:$0x12200] =	vst v63  }
0xcc: {  	_ = 	snop  }
0xcd: {  	[tilespmem:s29], [sflag:$0x1] =	stream.indirect_vreg.gather [hbm4b:s1+s3], $0x80, v3, vm0, $0xb8;
	[tilespmem:$0x12200] =	vst v63  }
0xce: {  	v3 =	vld [tilespmem:$0x150];
	_ =	sdelay $0x4  }
0xcf: {  	v63 =	vshll.u32 v3, $0x1  }
0xd0: {  	v3 =	vand.u32 $0x7, v3;
	v4 =	vand.u32 $0xFFFFFFF0, v63  }
0xd1: {  	v3 =	vor.u32 v3, v4  }
0xd2: {  	v4 =	vperm.xlane v3, v0;
	_ =	sdelay $0x1  }
0xd3: {  	v3 =	vperm.xlane v3, v2;
	v4 =	vadd.s32 v1, v4;
	_ =	sdelay $0x1  }
0xd4: {  	v3 =	vadd.s32 v1, v3;
	_ =	sdelay $0x2  }
0xd5: {  	[tilespmem:s30], [sflag:$0x1] =	stream.indirect_vreg.gather [hbm4b:s1+s3], $0x80, v4, vm0, $0xb8;
	[tilespmem:$0x12200] =	vst v63  }
0xd6: {  	_ = 	snop  }
0xd7: {  	[tilespmem:s31], [sflag:$0x1] =	stream.indirect_vreg.gather [hbm4b:s1+s3], $0x80, v3, vm0, $0xb8;
	[tilespmem:$0x12200] =	vst v63  }
0xd8: {  	_ =	swait.ge [sflag:s2], $0x6000  }
0xd9: {  	[sflag:s2] =	ssyncset.done $0x0  }
0xda: {  	[sflag:s2] =	ssyncadd.s32 $0xFFFFA000  }
0xdb: {  	_ =	swait.ge [sflag:s2], $0x6000  }
0xdc: {  	[sflag:s2] =	ssyncset.done $0x0  }
0xdd: {  	[sflag:s2] =	ssyncadd.s32 $0xFFFFA000  }
0xde: {  	_ =	swait.ge [sflag:s2], $0x6000  }
0xdf: {  	p0 =	sne.s32 s4, $0x1;
	[sflag:s2] =	ssyncset.done $0x0  }
.Ltmp0:
0xe0: {  	s7 =	rddreg [dreg:$0x5];
	[sflag:s2] =	ssyncadd.s32 $0xFFFFA000;
	(pc) =	sbr.rel @p0 .LBB2_1-.Ltmp0, $4  }
0xe1: {  	[hbm4b:s7+s3] =	stream.linear.scatter [tilespmem:s6], [sflag:$0x2], $0x12000, $0x38;
	[tilespmem:$0x12200] =	vst v63  }
0xe2: {  	_ =	swait.ge [sflag:s5], $0x12000  }
0xe3: {  	[sflag:s5] =	ssyncset.done $0x0  }
0xe4: {  	s4 =	sadd.s32 $0xFFFFFFFF, s4;
	[sflag:s5] =	ssyncadd.s32 $0xFFFEE000  }
0xe5: {  	_ =	sfence.sel $0x180000  }
0xe6: {  	[bflag:$0x0] =	sbarrier.arrive $0xFFFF  }
0xe7: {  	_ =	strace $0x90000047  }
0xe8: {  	s0 =	stileid.u32;
	[bflag:$0x2] =	sbarrier.arrive $0xFFFF  }
0xe9: {  	p0 =	sne.s32 s0, $0x0;
	s0 =	rddreg [dreg:$0x3]  }
0xea: {  	s0 =	sadd.s32 @!p0 $0x100000, s0  }
0xeb: {  	[sflag:s0] =	ssyncadd.tile.s32 @!p0 $0x1;
	_ =	shalt  }
.Lfunc_end2:
_tile_overlayer_lowered:
.L_overlay_start_2:
0xec: {  	(tag) =	ssettag $0x2  }
0xed: {  	s0 =	rddreg [dreg:$0x0];
	s2 =	stileid.u32  }
0xee: {  	s1 =	rddreg [dreg:$0x1];
	p0 =	sne.s32 s2, $0x0  }
0xef: {  	s3 =	rddreg [dreg:$0x2];
	[bflag:$0x3] =	sbarrier.arrive $0xFFFF;
	s2 =	simm.s32 @!p0 $0x1C02  }
0xf0: {  	[timem:s3], [sflag:s2] =	dma.local @!p0 [hbm:s0], s1  }
0xf1: {  	s0 =	simm.s32 @!p0 $0x2  }
0xf2: {  	_ =	swait.ge @!p0 [sflag:s0], s1  }
0xf3: {  	s1 =	ssub.s32 @!p0 $0x0, s1;
	[sflag:s0] =	ssyncset.done @!p0 $0x0  }
0xf4: {  	[sflag:s0] =	ssyncadd.s32 @!p0 s1  }
0xf5: {  	[bflag:$0x3] =	sbarrier.arrive $0xFFFF  }
0xf6: {  	_ =	shalt  }

</sc_bundles>
